<compile_context>
chip_gen: v7x
topology: tpu7x:2x2x1
jax: 0.10.2.dev20260603
libtpu: 0.0.44.dev20260713+nightly
codegen_flags: <defaults>
</compile_context>

<pallas_src>
import functools

import jax
import jax.numpy as jnp
from jax import lax
from jax.experimental import pallas as pl
from jax.experimental.pallas import tpu as pltpu
from jax.experimental.pallas import tpu_sc as plsc

N = 512
M = 100000
B = 16384

NC = 2
NS = 16
NW = NC * NS
BPW = B // NW
CH = 64
NCH = BPW // CH

BB = 4096


CK = 1000
NSTEP = M // CK
NBUF = 5
NGRP = NSTEP // NBUF


def _lse_body(a_hbm, lse_ref, b0, b1, b2, b3, b4, s0, s1, s2, s3, s4):
    bufs = (b0, b1, b2, b3, b4)
    sems = (s0, s1, s2, s3, s4)

    def start(k, b):
        pltpu.make_async_copy(
            a_hbm.at[pl.ds(k * CK, CK)], bufs[b], sems[b]).start()

    def wait(b):
        pltpu.make_async_copy(
            a_hbm.at[pl.ds(0, CK)], bufs[b], sems[b]).wait()

    for b in range(NBUF):
        start(b, b)

    def grp(g, accs):
        acc0, acc1 = accs
        for b in range(NBUF):
            k = g * NBUF + b
            wait(b)
            part = jnp.sum(jnp.exp(bufs[b][...]), axis=0, keepdims=True)
            if b % 2 == 0:
                acc0 = acc0 + part
            else:
                acc1 = acc1 + part

            @pl.when(k + NBUF < NSTEP)
            def _():
                start(k + NBUF, b)
        return acc0, acc1

    z = jnp.zeros((1, N), jnp.float32)
    acc0, acc1 = lax.fori_loop(0, NGRP, grp, (z, z))
    lse_ref[...] = jnp.log(acc0 + acc1)


def _lse_pass(at):
    return pl.pallas_call(
        _lse_body,
        in_specs=[pl.BlockSpec(memory_space=pl.ANY)],
        out_specs=pl.BlockSpec(memory_space=pltpu.MemorySpace.VMEM),
        out_shape=jax.ShapeDtypeStruct((1, N), jnp.float32),
        scratch_shapes=[pltpu.VMEM((CK, N), jnp.float32)] * NBUF
        + [pltpu.SemaphoreType.DMA] * NBUF,
    )(at)


@functools.lru_cache(maxsize=None)
def _make_sc_gather():
    mesh = plsc.VectorSubcoreMesh(core_axis_name="c", subcore_axis_name="s")

    @functools.partial(
        pl.kernel,
        mesh=mesh,
        out_type=jax.ShapeDtypeStruct((B, N), jnp.float32),
        scratch_types=[
            pltpu.VMEM((NCH, CH), jnp.int32),
            pltpu.VMEM((CH, N), jnp.float32),
            pltpu.VMEM((CH, N), jnp.float32),
            pltpu.SemaphoreType.DMA,
            pltpu.SemaphoreType.DMA,
        ],
    )
    def _sc_gather(table_hbm, idx_hbm, out_hbm,
                   idx_v, rows_a, rows_b, sem_a, sem_b):
        wid = lax.axis_index("s") * NC + lax.axis_index("c")
        base = wid * BPW
        pltpu.sync_copy(idx_hbm.at[wid], idx_v)

        bufs = (rows_a, rows_b)
        sems = (sem_a, sem_b)
        copies = [None, None]
        copies[0] = pltpu.async_copy(table_hbm.at[idx_v.at[0]], bufs[0],
                                     sems[0])
        for c in range(NCH):
            if c + 1 < NCH:
                copies[(c + 1) % 2] = pltpu.async_copy(
                    table_hbm.at[idx_v.at[c + 1]], bufs[(c + 1) % 2],
                    sems[(c + 1) % 2])
            copies[c % 2].wait()
            pltpu.sync_copy(bufs[c % 2], out_hbm.at[pl.ds(base + c * CH, CH)])

    return _sc_gather


def _epilogue_body(g_ref, lse_ref, o_ref):
    o_ref[...] = g_ref[...] - lse_ref[...]


def _epilogue(gathered, lse_row):
    return pl.pallas_call(
        _epilogue_body,
        grid=(B // BB,),
        in_specs=[
            pl.BlockSpec((BB, N), lambda i: (i, 0)),
            pl.BlockSpec((1, N), lambda i: (0, 0)),
        ],
        out_specs=pl.BlockSpec((BB, N), lambda i: (i, 0)),
        out_shape=jax.ShapeDtypeStruct((B, N), jnp.float32),
    )(gathered, lse_row)


def kernel(x_t, unnormalized_emission_matrix):
    at = unnormalized_emission_matrix.T
    idx = x_t.reshape(NW, NCH, CH)
    gathered = _make_sc_gather()(at, idx)
    lse_row = _lse_pass(at)
    return _epilogue(gathered, lse_row)

# --- scband reference (transcript-rebuilt; emitter-appended) ---
"""Pipeline reference for scband-emission-model-1580547973205 (READ-ONLY COPY).

The authoritative reference and input builder live on the scoring server;
editing this copy changes nothing except your own understanding.
"""

import jax, jax.numpy as jnp
import numpy as np

N = 512
M = 100000
BATCH = 16384

def setup_inputs(seed: int = 0) -> dict:
    key = jax.random.key(seed)
    k1, k2 = jax.random.split(key)
    x_t = jax.random.randint(k1, (BATCH,), 0, M, dtype=jnp.int64 if jax.config.jax_enable_x64 else jnp.int32).astype(jnp.int32)
    unnormalized_emission_matrix = jax.random.normal(k2, (N, M), dtype=jnp.float32)
    return {"x_t": x_t, "unnormalized_emission_matrix": unnormalized_emission_matrix}

def reference(x_t, unnormalized_emission_matrix):
    # log_softmax over dim=1 (vocab dim)
    emission_matrix = jax.nn.log_softmax(unnormalized_emission_matrix, axis=1)
    # gather columns: emission_matrix[:, x_t] -> (N, batch), then transpose -> (batch, N)
    out = jnp.take(emission_matrix, x_t, axis=1).T
    return out

if __name__ == "__main__":
    import jax
    _d = setup_inputs()
    print(jax.jit(kernel)(*tuple(_d.values())))

</pallas_src>

<mosaic_0001>
#map = affine_map<(d0, d1) -> (0, 0)>
#map1 = affine_map<(d0, d1) -> (0, 0, 0)>
module attributes {stable_mosaic.version = 14 : i64} {
  func.func @_sc_gather(%arg0: i32, %arg1: i32, %arg2: memref<100000x512xf32, #tpu.memory_space<hbm>>, %arg3: memref<32x8x64xi32, #tpu.memory_space<hbm>>, %arg4: memref<16384x512xf32, #tpu.memory_space<hbm>>, %arg5: memref<8x64xi32, #tpu.memory_space<vmem>>, %arg6: memref<64x512xf32, #tpu.memory_space<vmem>>, %arg7: memref<64x512xf32, #tpu.memory_space<vmem>>, %arg8: memref<!tpu.dma_semaphore, #tpu.memory_space<semaphore_mem>>, %arg9: memref<!tpu.dma_semaphore, #tpu.memory_space<semaphore_mem>>) attributes {dimension_semantics = [#tpu.dimension_semantics<core_parallel>, #tpu.dimension_semantics<subcore_parallel>], iteration_bounds = array<i64: 2, 16>, scalar_prefetch = 0 : i64, scratch_operands = 5 : i64, tpu.core_type = #tpu.core_type<sc_vector_subcore>, window_params = [{transform_indices = #map}, {transform_indices = #map1}, {transform_indices = #map}]} {
    %mul3A = arith.constant 2 : i32
    %mul3A_0 = arith.muli %arg1, %mul3A : i32
    %add3A = arith.addi %mul3A_0, %arg0 : i32
    %mul3A_1 = arith.constant 512 : i32
    %mul3A_2 = arith.muli %add3A, %mul3A_1 : i32
    "tpu.region"() ({
      %run_scoped3A = tpu.sem_alloc : memref<!tpu.dma_semaphore, #tpu.memory_space<semaphore_mem>>
      %dma_start3A_129 = arith.constant 0 : i32
      %dma_start3A_130 = arith.constant 0 : i32
      %dma_start3A_131 = tpu.memref_slice %arg3[%add3A, %dma_start3A_129, %dma_start3A_130] : memref<32x8x64xi32, #tpu.memory_space<hbm>> -> memref<1x8x64xi32, #tpu.memory_space<hbm>>
      %dma_start3A_132 = tpu.memref_squeeze %dma_start3A_131 : memref<1x8x64xi32, #tpu.memory_space<hbm>> -> memref<8x64xi32, #tpu.memory_space<hbm>>
      %dma_start3A_133 = arith.constant 0 : i32
      %dma_start3A_134 = arith.constant 0 : i32
      %dma_start3A_135 = tpu.memref_slice %arg3[%add3A, %dma_start3A_133, %dma_start3A_134] : memref<32x8x64xi32, #tpu.memory_space<hbm>> -> memref<1x8x64xi32, #tpu.memory_space<hbm>>
      %dma_start3A_136 = tpu.memref_squeeze %dma_start3A_135 : memref<1x8x64xi32, #tpu.memory_space<hbm>> -> memref<8x64xi32, #tpu.memory_space<hbm>>
      tpu.enqueue_dma source(%dma_start3A_136 : memref<8x64xi32, #tpu.memory_space<hbm>>) target(%arg5 : memref<8x64xi32, #tpu.memory_space<vmem>>) target_semaphore(%run_scoped3A : memref<!tpu.dma_semaphore, #tpu.memory_space<semaphore_mem>>)
      %dma_wait3A_137 = arith.constant 0 : i32
      %dma_wait3A_138 = arith.constant 0 : i32
      %dma_wait3A_139 = tpu.memref_slice %arg3[%add3A, %dma_wait3A_137, %dma_wait3A_138] : memref<32x8x64xi32, #tpu.memory_space<hbm>> -> memref<1x8x64xi32, #tpu.memory_space<hbm>>
      %dma_wait3A_140 = tpu.memref_squeeze %dma_wait3A_139 : memref<1x8x64xi32, #tpu.memory_space<hbm>> -> memref<8x64xi32, #tpu.memory_space<hbm>>
      %dma_wait3A_141 = arith.constant 0 : i32
      %dma_wait3A_142 = arith.constant 0 : i32
      %dma_wait3A_143 = tpu.memref_slice %arg3[%add3A, %dma_wait3A_141, %dma_wait3A_142] : memref<32x8x64xi32, #tpu.memory_space<hbm>> -> memref<1x8x64xi32, #tpu.memory_space<hbm>>
      %dma_wait3A_144 = tpu.memref_squeeze %dma_wait3A_143 : memref<1x8x64xi32, #tpu.memory_space<hbm>> -> memref<8x64xi32, #tpu.memory_space<hbm>>
      tpu.wait_dma2 semaphore(%run_scoped3A : memref<!tpu.dma_semaphore, #tpu.memory_space<semaphore_mem>>) src(%dma_wait3A_144 : memref<8x64xi32, #tpu.memory_space<hbm>>) dst(%arg5 : memref<8x64xi32, #tpu.memory_space<vmem>>)
      tpu.yield
    }) : () -> ()
    %dma_start3A = arith.constant 0 : i32
    %dma_start3A_3 = arith.constant 0 : i32
    %dma_start3A_4 = tpu.memref_slice %arg5[%dma_start3A, %dma_start3A_3] : memref<8x64xi32, #tpu.memory_space<vmem>> -> memref<1x64xi32, #tpu.memory_space<vmem>>
    %dma_start3A_5 = tpu.memref_squeeze %dma_start3A_4 : memref<1x64xi32, #tpu.memory_space<vmem>> -> memref<64xi32, #tpu.memory_space<vmem>>
    %dma_start3A_6 = arith.constant 0 : i32
    %dma_start3A_7 = arith.constant 0 : i32
    %dma_start3A_8 = tpu.memref_slice %arg2[%dma_start3A_6, %dma_start3A_7] : memref<100000x512xf32, #tpu.memory_space<hbm>> -> memref<100000x512xf32, #tpu.memory_space<hbm>>
    tpu.enqueue_indirect_dma source(%dma_start3A_8 : memref<100000x512xf32, #tpu.memory_space<hbm>>) target(%arg6 : memref<64x512xf32, #tpu.memory_space<vmem>>) offsets(%dma_start3A_5 : memref<64xi32, #tpu.memory_space<vmem>>) semaphore(%arg8 : memref<!tpu.dma_semaphore, #tpu.memory_space<semaphore_mem>>)
    %dma_start3A_9 = arith.constant 1 : i32
    %dma_start3A_10 = arith.constant 0 : i32
    %dma_start3A_11 = tpu.memref_slice %arg5[%dma_start3A_9, %dma_start3A_10] : memref<8x64xi32, #tpu.memory_space<vmem>> -> memref<1x64xi32, #tpu.memory_space<vmem>>
    %dma_start3A_12 = tpu.memref_squeeze %dma_start3A_11 : memref<1x64xi32, #tpu.memory_space<vmem>> -> memref<64xi32, #tpu.memory_space<vmem>>
    %dma_start3A_13 = arith.constant 0 : i32
    %dma_start3A_14 = arith.constant 0 : i32
    %dma_start3A_15 = tpu.memref_slice %arg2[%dma_start3A_13, %dma_start3A_14] : memref<100000x512xf32, #tpu.memory_space<hbm>> -> memref<100000x512xf32, #tpu.memory_space<hbm>>
    tpu.enqueue_indirect_dma source(%dma_start3A_15 : memref<100000x512xf32, #tpu.memory_space<hbm>>) target(%arg7 : memref<64x512xf32, #tpu.memory_space<vmem>>) offsets(%dma_start3A_12 : memref<64xi32, #tpu.memory_space<vmem>>) semaphore(%arg9 : memref<!tpu.dma_semaphore, #tpu.memory_space<semaphore_mem>>)
    %dma_wait3A = arith.constant 0 : i32
    %dma_wait3A_16 = arith.constant 0 : i32
    %dma_wait3A_17 = tpu.memref_slice %arg5[%dma_wait3A, %dma_wait3A_16] : memref<8x64xi32, #tpu.memory_space<vmem>> -> memref<1x64xi32, #tpu.memory_space<vmem>>
    %dma_wait3A_18 = tpu.memref_squeeze %dma_wait3A_17 : memref<1x64xi32, #tpu.memory_space<vmem>> -> memref<64xi32, #tpu.memory_space<vmem>>
    %dma_wait3A_19 = arith.constant 0 : i32
    %dma_wait3A_20 = arith.constant 0 : i32
    %dma_wait3A_21 = tpu.memref_slice %arg2[%dma_wait3A_19, %dma_wait3A_20] : memref<100000x512xf32, #tpu.memory_space<hbm>> -> memref<100000x512xf32, #tpu.memory_space<hbm>>
    tpu.wait_indirect_dma semaphore(%arg8 : memref<!tpu.dma_semaphore, #tpu.memory_space<semaphore_mem>>) src(%dma_wait3A_21 : memref<100000x512xf32, #tpu.memory_space<hbm>>) dst(%arg6 : memref<64x512xf32, #tpu.memory_space<vmem>>)
    %add3A_22 = arith.constant 0 : i32
    %add3A_23 = arith.addi %mul3A_2, %add3A_22 : i32
    "tpu.region"() ({
      %run_scoped3A = tpu.sem_alloc : memref<!tpu.dma_semaphore, #tpu.memory_space<semaphore_mem>>
      %dma_start3A_129 = arith.constant 0 : i32
      %dma_start3A_130 = tpu.memref_slice %arg4[%add3A_23, %dma_start3A_129] : memref<16384x512xf32, #tpu.memory_space<hbm>> -> memref<64x512xf32, #tpu.memory_space<hbm>>
      %dma_start3A_131 = arith.constant 0 : i32
      %dma_start3A_132 = tpu.memref_slice %arg4[%add3A_23, %dma_start3A_131] : memref<16384x512xf32, #tpu.memory_space<hbm>> -> memref<64x512xf32, #tpu.memory_space<hbm>>
      tpu.enqueue_dma source(%arg6 : memref<64x512xf32, #tpu.memory_space<vmem>>) target(%dma_start3A_132 : memref<64x512xf32, #tpu.memory_space<hbm>>) target_semaphore(%run_scoped3A : memref<!tpu.dma_semaphore, #tpu.memory_space<semaphore_mem>>)
      %dma_wait3A_133 = arith.constant 0 : i32
      %dma_wait3A_134 = tpu.memref_slice %arg4[%add3A_23, %dma_wait3A_133] : memref<16384x512xf32, #tpu.memory_space<hbm>> -> memref<64x512xf32, #tpu.memory_space<hbm>>
      %dma_wait3A_135 = arith.constant 0 : i32
      %dma_wait3A_136 = tpu.memref_slice %arg4[%add3A_23, %dma_wait3A_135] : memref<16384x512xf32, #tpu.memory_space<hbm>> -> memref<64x512xf32, #tpu.memory_space<hbm>>
      tpu.wait_dma2 semaphore(%run_scoped3A : memref<!tpu.dma_semaphore, #tpu.memory_space<semaphore_mem>>) src(%arg6 : memref<64x512xf32, #tpu.memory_space<vmem>>) dst(%dma_wait3A_136 : memref<64x512xf32, #tpu.memory_space<hbm>>)
      tpu.yield
    }) : () -> ()
    %dma_start3A_24 = arith.constant 2 : i32
    %dma_start3A_25 = arith.constant 0 : i32
    %dma_start3A_26 = tpu.memref_slice %arg5[%dma_start3A_24, %dma_start3A_25] : memref<8x64xi32, #tpu.memory_space<vmem>> -> memref<1x64xi32, #tpu.memory_space<vmem>>
    %dma_start3A_27 = tpu.memref_squeeze %dma_start3A_26 : memref<1x64xi32, #tpu.memory_space<vmem>> -> memref<64xi32, #tpu.memory_space<vmem>>
    %dma_start3A_28 = arith.constant 0 : i32
    %dma_start3A_29 = arith.constant 0 : i32
    %dma_start3A_30 = tpu.memref_slice %arg2[%dma_start3A_28, %dma_start3A_29] : memref<100000x512xf32, #tpu.memory_space<hbm>> -> memref<100000x512xf32, #tpu.memory_space<hbm>>
    tpu.enqueue_indirect_dma source(%dma_start3A_30 : memref<100000x512xf32, #tpu.memory_space<hbm>>) target(%arg6 : memref<64x512xf32, #tpu.memory_space<vmem>>) offsets(%dma_start3A_27 : memref<64xi32, #tpu.memory_space<vmem>>) semaphore(%arg8 : memref<!tpu.dma_semaphore, #tpu.memory_space<semaphore_mem>>)
    %dma_wait3A_31 = arith.constant 1 : i32
    %dma_wait3A_32 = arith.constant 0 : i32
    %dma_wait3A_33 = tpu.memref_slice %arg5[%dma_wait3A_31, %dma_wait3A_32] : memref<8x64xi32, #tpu.memory_space<vmem>> -> memref<1x64xi32, #tpu.memory_space<vmem>>
    %dma_wait3A_34 = tpu.memref_squeeze %dma_wait3A_33 : memref<1x64xi32, #tpu.memory_space<vmem>> -> memref<64xi32, #tpu.memory_space<vmem>>
    %dma_wait3A_35 = arith.constant 0 : i32
    %dma_wait3A_36 = arith.constant 0 : i32
    %dma_wait3A_37 = tpu.memref_slice %arg2[%dma_wait3A_35, %dma_wait3A_36] : memref<100000x512xf32, #tpu.memory_space<hbm>> -> memref<100000x512xf32, #tpu.memory_space<hbm>>
    tpu.wait_indirect_dma semaphore(%arg9 : memref<!tpu.dma_semaphore, #tpu.memory_space<semaphore_mem>>) src(%dma_wait3A_37 : memref<100000x512xf32, #tpu.memory_space<hbm>>) dst(%arg7 : memref<64x512xf32, #tpu.memory_space<vmem>>)
    %add3A_38 = arith.constant 64 : i32
    %add3A_39 = arith.addi %mul3A_2, %add3A_38 : i32
    "tpu.region"() ({
      %run_scoped3A = tpu.sem_alloc : memref<!tpu.dma_semaphore, #tpu.memory_space<semaphore_mem>>
      %dma_start3A_129 = arith.constant 0 : i32
      %dma_start3A_130 = tpu.memref_slice %arg4[%add3A_39, %dma_start3A_129] : memref<16384x512xf32, #tpu.memory_space<hbm>> -> memref<64x512xf32, #tpu.memory_space<hbm>>
      %dma_start3A_131 = arith.constant 0 : i32
      %dma_start3A_132 = tpu.memref_slice %arg4[%add3A_39, %dma_start3A_131] : memref<16384x512xf32, #tpu.memory_space<hbm>> -> memref<64x512xf32, #tpu.memory_space<hbm>>
      tpu.enqueue_dma source(%arg7 : memref<64x512xf32, #tpu.memory_space<vmem>>) target(%dma_start3A_132 : memref<64x512xf32, #tpu.memory_space<hbm>>) target_semaphore(%run_scoped3A : memref<!tpu.dma_semaphore, #tpu.memory_space<semaphore_mem>>)
      %dma_wait3A_133 = arith.constant 0 : i32
      %dma_wait3A_134 = tpu.memref_slice %arg4[%add3A_39, %dma_wait3A_133] : memref<16384x512xf32, #tpu.memory_space<hbm>> -> memref<64x512xf32, #tpu.memory_space<hbm>>
      %dma_wait3A_135 = arith.constant 0 : i32
      %dma_wait3A_136 = tpu.memref_slice %arg4[%add3A_39, %dma_wait3A_135] : memref<16384x512xf32, #tpu.memory_space<hbm>> -> memref<64x512xf32, #tpu.memory_space<hbm>>
      tpu.wait_dma2 semaphore(%run_scoped3A : memref<!tpu.dma_semaphore, #tpu.memory_space<semaphore_mem>>) src(%arg7 : memref<64x512xf32, #tpu.memory_space<vmem>>) dst(%dma_wait3A_136 : memref<64x512xf32, #tpu.memory_space<hbm>>)
      tpu.yield
    }) : () -> ()
    %dma_start3A_40 = arith.constant 3 : i32
    %dma_start3A_41 = arith.constant 0 : i32
    %dma_start3A_42 = tpu.memref_slice %arg5[%dma_start3A_40, %dma_start3A_41] : memref<8x64xi32, #tpu.memory_space<vmem>> -> memref<1x64xi32, #tpu.memory_space<vmem>>
    %dma_start3A_43 = tpu.memref_squeeze %dma_start3A_42 : memref<1x64xi32, #tpu.memory_space<vmem>> -> memref<64xi32, #tpu.memory_space<vmem>>
    %dma_start3A_44 = arith.constant 0 : i32
    %dma_start3A_45 = arith.constant 0 : i32
    %dma_start3A_46 = tpu.memref_slice %arg2[%dma_start3A_44, %dma_start3A_45] : memref<100000x512xf32, #tpu.memory_space<hbm>> -> memref<100000x512xf32, #tpu.memory_space<hbm>>
    tpu.enqueue_indirect_dma source(%dma_start3A_46 : memref<100000x512xf32, #tpu.memory_space<hbm>>) target(%arg7 : memref<64x512xf32, #tpu.memory_space<vmem>>) offsets(%dma_start3A_43 : memref<64xi32, #tpu.memory_space<vmem>>) semaphore(%arg9 : memref<!tpu.dma_semaphore, #tpu.memory_space<semaphore_mem>>)
    %dma_wait3A_47 = arith.constant 2 : i32
    %dma_wait3A_48 = arith.constant 0 : i32
    %dma_wait3A_49 = tpu.memref_slice %arg5[%dma_wait3A_47, %dma_wait3A_48] : memref<8x64xi32, #tpu.memory_space<vmem>> -> memref<1x64xi32, #tpu.memory_space<vmem>>
    %dma_wait3A_50 = tpu.memref_squeeze %dma_wait3A_49 : memref<1x64xi32, #tpu.memory_space<vmem>> -> memref<64xi32, #tpu.memory_space<vmem>>
    %dma_wait3A_51 = arith.constant 0 : i32
    %dma_wait3A_52 = arith.constant 0 : i32
    %dma_wait3A_53 = tpu.memref_slice %arg2[%dma_wait3A_51, %dma_wait3A_52] : memref<100000x512xf32, #tpu.memory_space<hbm>> -> memref<100000x512xf32, #tpu.memory_space<hbm>>
    tpu.wait_indirect_dma semaphore(%arg8 : memref<!tpu.dma_semaphore, #tpu.memory_space<semaphore_mem>>) src(%dma_wait3A_53 : memref<100000x512xf32, #tpu.memory_space<hbm>>) dst(%arg6 : memref<64x512xf32, #tpu.memory_space<vmem>>)
    %add3A_54 = arith.constant 128 : i32
    %add3A_55 = arith.addi %mul3A_2, %add3A_54 : i32
    "tpu.region"() ({
      %run_scoped3A = tpu.sem_alloc : memref<!tpu.dma_semaphore, #tpu.memory_space<semaphore_mem>>
      %dma_start3A_129 = arith.constant 0 : i32
      %dma_start3A_130 = tpu.memref_slice %arg4[%add3A_55, %dma_start3A_129] : memref<16384x512xf32, #tpu.memory_space<hbm>> -> memref<64x512xf32, #tpu.memory_space<hbm>>
      %dma_start3A_131 = arith.constant 0 : i32
      %dma_start3A_132 = tpu.memref_slice %arg4[%add3A_55, %dma_start3A_131] : memref<16384x512xf32, #tpu.memory_space<hbm>> -> memref<64x512xf32, #tpu.memory_space<hbm>>
      tpu.enqueue_dma source(%arg6 : memref<64x512xf32, #tpu.memory_space<vmem>>) target(%dma_start3A_132 : memref<64x512xf32, #tpu.memory_space<hbm>>) target_semaphore(%run_scoped3A : memref<!tpu.dma_semaphore, #tpu.memory_space<semaphore_mem>>)
      %dma_wait3A_133 = arith.constant 0 : i32
      %dma_wait3A_134 = tpu.memref_slice %arg4[%add3A_55, %dma_wait3A_133] : memref<16384x512xf32, #tpu.memory_space<hbm>> -> memref<64x512xf32, #tpu.memory_space<hbm>>
      %dma_wait3A_135 = arith.constant 0 : i32
      %dma_wait3A_136 = tpu.memref_slice %arg4[%add3A_55, %dma_wait3A_135] : memref<16384x512xf32, #tpu.memory_space<hbm>> -> memref<64x512xf32, #tpu.memory_space<hbm>>
      tpu.wait_dma2 semaphore(%run_scoped3A : memref<!tpu.dma_semaphore, #tpu.memory_space<semaphore_mem>>) src(%arg6 : memref<64x512xf32, #tpu.memory_space<vmem>>) dst(%dma_wait3A_136 : memref<64x512xf32, #tpu.memory_space<hbm>>)
      tpu.yield
    }) : () -> ()
    %dma_start3A_56 = arith.constant 4 : i32
    %dma_start3A_57 = arith.constant 0 : i32
    %dma_start3A_58 = tpu.memref_slice %arg5[%dma_start3A_56, %dma_start3A_57] : memref<8x64xi32, #tpu.memory_space<vmem>> -> memref<1x64xi32, #tpu.memory_space<vmem>>
    %dma_start3A_59 = tpu.memref_squeeze %dma_start3A_58 : memref<1x64xi32, #tpu.memory_space<vmem>> -> memref<64xi32, #tpu.memory_space<vmem>>
    %dma_start3A_60 = arith.constant 0 : i32
    %dma_start3A_61 = arith.constant 0 : i32
    %dma_start3A_62 = tpu.memref_slice %arg2[%dma_start3A_60, %dma_start3A_61] : memref<100000x512xf32, #tpu.memory_space<hbm>> -> memref<100000x512xf32, #tpu.memory_space<hbm>>
    tpu.enqueue_indirect_dma source(%dma_start3A_62 : memref<100000x512xf32, #tpu.memory_space<hbm>>) target(%arg6 : memref<64x512xf32, #tpu.memory_space<vmem>>) offsets(%dma_start3A_59 : memref<64xi32, #tpu.memory_space<vmem>>) semaphore(%arg8 : memref<!tpu.dma_semaphore, #tpu.memory_space<semaphore_mem>>)
    %dma_wait3A_63 = arith.constant 3 : i32
    %dma_wait3A_64 = arith.constant 0 : i32
    %dma_wait3A_65 = tpu.memref_slice %arg5[%dma_wait3A_63, %dma_wait3A_64] : memref<8x64xi32, #tpu.memory_space<vmem>> -> memref<1x64xi32, #tpu.memory_space<vmem>>
    %dma_wait3A_66 = tpu.memref_squeeze %dma_wait3A_65 : memref<1x64xi32, #tpu.memory_space<vmem>> -> memref<64xi32, #tpu.memory_space<vmem>>
    %dma_wait3A_67 = arith.constant 0 : i32
    %dma_wait3A_68 = arith.constant 0 : i32
    %dma_wait3A_69 = tpu.memref_slice %arg2[%dma_wait3A_67, %dma_wait3A_68] : memref<100000x512xf32, #tpu.memory_space<hbm>> -> memref<100000x512xf32, #tpu.memory_space<hbm>>
    tpu.wait_indirect_dma semaphore(%arg9 : memref<!tpu.dma_semaphore, #tpu.memory_space<semaphore_mem>>) src(%dma_wait3A_69 : memref<100000x512xf32, #tpu.memory_space<hbm>>) dst(%arg7 : memref<64x512xf32, #tpu.memory_space<vmem>>)
    %add3A_70 = arith.constant 192 : i32
    %add3A_71 = arith.addi %mul3A_2, %add3A_70 : i32
    "tpu.region"() ({
      %run_scoped3A = tpu.sem_alloc : memref<!tpu.dma_semaphore, #tpu.memory_space<semaphore_mem>>
      %dma_start3A_129 = arith.constant 0 : i32
      %dma_start3A_130 = tpu.memref_slice %arg4[%add3A_71, %dma_start3A_129] : memref<16384x512xf32, #tpu.memory_space<hbm>> -> memref<64x512xf32, #tpu.memory_space<hbm>>
      %dma_start3A_131 = arith.constant 0 : i32
      %dma_start3A_132 = tpu.memref_slice %arg4[%add3A_71, %dma_start3A_131] : memref<16384x512xf32, #tpu.memory_space<hbm>> -> memref<64x512xf32, #tpu.memory_space<hbm>>
      tpu.enqueue_dma source(%arg7 : memref<64x512xf32, #tpu.memory_space<vmem>>) target(%dma_start3A_132 : memref<64x512xf32, #tpu.memory_space<hbm>>) target_semaphore(%run_scoped3A : memref<!tpu.dma_semaphore, #tpu.memory_space<semaphore_mem>>)
      %dma_wait3A_133 = arith.constant 0 : i32
      %dma_wait3A_134 = tpu.memref_slice %arg4[%add3A_71, %dma_wait3A_133] : memref<16384x512xf32, #tpu.memory_space<hbm>> -> memref<64x512xf32, #tpu.memory_space<hbm>>
      %dma_wait3A_135 = arith.constant 0 : i32
      %dma_wait3A_136 = tpu.memref_slice %arg4[%add3A_71, %dma_wait3A_135] : memref<16384x512xf32, #tpu.memory_space<hbm>> -> memref<64x512xf32, #tpu.memory_space<hbm>>
      tpu.wait_dma2 semaphore(%run_scoped3A : memref<!tpu.dma_semaphore, #tpu.memory_space<semaphore_mem>>) src(%arg7 : memref<64x512xf32, #tpu.memory_space<vmem>>) dst(%dma_wait3A_136 : memref<64x512xf32, #tpu.memory_space<hbm>>)
      tpu.yield
    }) : () -> ()
    %dma_start3A_72 = arith.constant 5 : i32
    %dma_start3A_73 = arith.constant 0 : i32
    %dma_start3A_74 = tpu.memref_slice %arg5[%dma_start3A_72, %dma_start3A_73] : memref<8x64xi32, #tpu.memory_space<vmem>> -> memref<1x64xi32, #tpu.memory_space<vmem>>
    %dma_start3A_75 = tpu.memref_squeeze %dma_start3A_74 : memref<1x64xi32, #tpu.memory_space<vmem>> -> memref<64xi32, #tpu.memory_space<vmem>>
    %dma_start3A_76 = arith.constant 0 : i32
    %dma_start3A_77 = arith.constant 0 : i32
    %dma_start3A_78 = tpu.memref_slice %arg2[%dma_start3A_76, %dma_start3A_77] : memref<100000x512xf32, #tpu.memory_space<hbm>> -> memref<100000x512xf32, #tpu.memory_space<hbm>>
    tpu.enqueue_indirect_dma source(%dma_start3A_78 : memref<100000x512xf32, #tpu.memory_space<hbm>>) target(%arg7 : memref<64x512xf32, #tpu.memory_space<vmem>>) offsets(%dma_start3A_75 : memref<64xi32, #tpu.memory_space<vmem>>) semaphore(%arg9 : memref<!tpu.dma_semaphore, #tpu.memory_space<semaphore_mem>>)
    %dma_wait3A_79 = arith.constant 4 : i32
    %dma_wait3A_80 = arith.constant 0 : i32
    %dma_wait3A_81 = tpu.memref_slice %arg5[%dma_wait3A_79, %dma_wait3A_80] : memref<8x64xi32, #tpu.memory_space<vmem>> -> memref<1x64xi32, #tpu.memory_space<vmem>>
    %dma_wait3A_82 = tpu.memref_squeeze %dma_wait3A_81 : memref<1x64xi32, #tpu.memory_space<vmem>> -> memref<64xi32, #tpu.memory_space<vmem>>
    %dma_wait3A_83 = arith.constant 0 : i32
    %dma_wait3A_84 = arith.constant 0 : i32
    %dma_wait3A_85 = tpu.memref_slice %arg2[%dma_wait3A_83, %dma_wait3A_84] : memref<100000x512xf32, #tpu.memory_space<hbm>> -> memref<100000x512xf32, #tpu.memory_space<hbm>>
    tpu.wait_indirect_dma semaphore(%arg8 : memref<!tpu.dma_semaphore, #tpu.memory_space<semaphore_mem>>) src(%dma_wait3A_85 : memref<100000x512xf32, #tpu.memory_space<hbm>>) dst(%arg6 : memref<64x512xf32, #tpu.memory_space<vmem>>)
    %add3A_86 = arith.constant 256 : i32
    %add3A_87 = arith.addi %mul3A_2, %add3A_86 : i32
    "tpu.region"() ({
      %run_scoped3A = tpu.sem_alloc : memref<!tpu.dma_semaphore, #tpu.memory_space<semaphore_mem>>
      %dma_start3A_129 = arith.constant 0 : i32
      %dma_start3A_130 = tpu.memref_slice %arg4[%add3A_87, %dma_start3A_129] : memref<16384x512xf32, #tpu.memory_space<hbm>> -> memref<64x512xf32, #tpu.memory_space<hbm>>
      %dma_start3A_131 = arith.constant 0 : i32
      %dma_start3A_132 = tpu.memref_slice %arg4[%add3A_87, %dma_start3A_131] : memref<16384x512xf32, #tpu.memory_space<hbm>> -> memref<64x512xf32, #tpu.memory_space<hbm>>
      tpu.enqueue_dma source(%arg6 : memref<64x512xf32, #tpu.memory_space<vmem>>) target(%dma_start3A_132 : memref<64x512xf32, #tpu.memory_space<hbm>>) target_semaphore(%run_scoped3A : memref<!tpu.dma_semaphore, #tpu.memory_space<semaphore_mem>>)
      %dma_wait3A_133 = arith.constant 0 : i32
      %dma_wait3A_134 = tpu.memref_slice %arg4[%add3A_87, %dma_wait3A_133] : memref<16384x512xf32, #tpu.memory_space<hbm>> -> memref<64x512xf32, #tpu.memory_space<hbm>>
      %dma_wait3A_135 = arith.constant 0 : i32
      %dma_wait3A_136 = tpu.memref_slice %arg4[%add3A_87, %dma_wait3A_135] : memref<16384x512xf32, #tpu.memory_space<hbm>> -> memref<64x512xf32, #tpu.memory_space<hbm>>
      tpu.wait_dma2 semaphore(%run_scoped3A : memref<!tpu.dma_semaphore, #tpu.memory_space<semaphore_mem>>) src(%arg6 : memref<64x512xf32, #tpu.memory_space<vmem>>) dst(%dma_wait3A_136 : memref<64x512xf32, #tpu.memory_space<hbm>>)
      tpu.yield
    }) : () -> ()
    %dma_start3A_88 = arith.constant 6 : i32
    %dma_start3A_89 = arith.constant 0 : i32
    %dma_start3A_90 = tpu.memref_slice %arg5[%dma_start3A_88, %dma_start3A_89] : memref<8x64xi32, #tpu.memory_space<vmem>> -> memref<1x64xi32, #tpu.memory_space<vmem>>
    %dma_start3A_91 = tpu.memref_squeeze %dma_start3A_90 : memref<1x64xi32, #tpu.memory_space<vmem>> -> memref<64xi32, #tpu.memory_space<vmem>>
    %dma_start3A_92 = arith.constant 0 : i32
    %dma_start3A_93 = arith.constant 0 : i32
    %dma_start3A_94 = tpu.memref_slice %arg2[%dma_start3A_92, %dma_start3A_93] : memref<100000x512xf32, #tpu.memory_space<hbm>> -> memref<100000x512xf32, #tpu.memory_space<hbm>>
    tpu.enqueue_indirect_dma source(%dma_start3A_94 : memref<100000x512xf32, #tpu.memory_space<hbm>>) target(%arg6 : memref<64x512xf32, #tpu.memory_space<vmem>>) offsets(%dma_start3A_91 : memref<64xi32, #tpu.memory_space<vmem>>) semaphore(%arg8 : memref<!tpu.dma_semaphore, #tpu.memory_space<semaphore_mem>>)
    %dma_wait3A_95 = arith.constant 5 : i32
    %dma_wait3A_96 = arith.constant 0 : i32
    %dma_wait3A_97 = tpu.memref_slice %arg5[%dma_wait3A_95, %dma_wait3A_96] : memref<8x64xi32, #tpu.memory_space<vmem>> -> memref<1x64xi32, #tpu.memory_space<vmem>>
    %dma_wait3A_98 = tpu.memref_squeeze %dma_wait3A_97 : memref<1x64xi32, #tpu.memory_space<vmem>> -> memref<64xi32, #tpu.memory_space<vmem>>
    %dma_wait3A_99 = arith.constant 0 : i32
    %dma_wait3A_100 = arith.constant 0 : i32
    %dma_wait3A_101 = tpu.memref_slice %arg2[%dma_wait3A_99, %dma_wait3A_100] : memref<100000x512xf32, #tpu.memory_space<hbm>> -> memref<100000x512xf32, #tpu.memory_space<hbm>>
    tpu.wait_indirect_dma semaphore(%arg9 : memref<!tpu.dma_semaphore, #tpu.memory_space<semaphore_mem>>) src(%dma_wait3A_101 : memref<100000x512xf32, #tpu.memory_space<hbm>>) dst(%arg7 : memref<64x512xf32, #tpu.memory_space<vmem>>)
    %add3A_102 = arith.constant 320 : i32
    %add3A_103 = arith.addi %mul3A_2, %add3A_102 : i32
    "tpu.region"() ({
      %run_scoped3A = tpu.sem_alloc : memref<!tpu.dma_semaphore, #tpu.memory_space<semaphore_mem>>
      %dma_start3A_129 = arith.constant 0 : i32
      %dma_start3A_130 = tpu.memref_slice %arg4[%add3A_103, %dma_start3A_129] : memref<16384x512xf32, #tpu.memory_space<hbm>> -> memref<64x512xf32, #tpu.memory_space<hbm>>
      %dma_start3A_131 = arith.constant 0 : i32
      %dma_start3A_132 = tpu.memref_slice %arg4[%add3A_103, %dma_start3A_131] : memref<16384x512xf32, #tpu.memory_space<hbm>> -> memref<64x512xf32, #tpu.memory_space<hbm>>
      tpu.enqueue_dma source(%arg7 : memref<64x512xf32, #tpu.memory_space<vmem>>) target(%dma_start3A_132 : memref<64x512xf32, #tpu.memory_space<hbm>>) target_semaphore(%run_scoped3A : memref<!tpu.dma_semaphore, #tpu.memory_space<semaphore_mem>>)
      %dma_wait3A_133 = arith.constant 0 : i32
      %dma_wait3A_134 = tpu.memref_slice %arg4[%add3A_103, %dma_wait3A_133] : memref<16384x512xf32, #tpu.memory_space<hbm>> -> memref<64x512xf32, #tpu.memory_space<hbm>>
      %dma_wait3A_135 = arith.constant 0 : i32
      %dma_wait3A_136 = tpu.memref_slice %arg4[%add3A_103, %dma_wait3A_135] : memref<16384x512xf32, #tpu.memory_space<hbm>> -> memref<64x512xf32, #tpu.memory_space<hbm>>
      tpu.wait_dma2 semaphore(%run_scoped3A : memref<!tpu.dma_semaphore, #tpu.memory_space<semaphore_mem>>) src(%arg7 : memref<64x512xf32, #tpu.memory_space<vmem>>) dst(%dma_wait3A_136 : memref<64x512xf32, #tpu.memory_space<hbm>>)
      tpu.yield
    }) : () -> ()
    %dma_start3A_104 = arith.constant 7 : i32
    %dma_start3A_105 = arith.constant 0 : i32
    %dma_start3A_106 = tpu.memref_slice %arg5[%dma_start3A_104, %dma_start3A_105] : memref<8x64xi32, #tpu.memory_space<vmem>> -> memref<1x64xi32, #tpu.memory_space<vmem>>
    %dma_start3A_107 = tpu.memref_squeeze %dma_start3A_106 : memref<1x64xi32, #tpu.memory_space<vmem>> -> memref<64xi32, #tpu.memory_space<vmem>>
    %dma_start3A_108 = arith.constant 0 : i32
    %dma_start3A_109 = arith.constant 0 : i32
    %dma_start3A_110 = tpu.memref_slice %arg2[%dma_start3A_108, %dma_start3A_109] : memref<100000x512xf32, #tpu.memory_space<hbm>> -> memref<100000x512xf32, #tpu.memory_space<hbm>>
    tpu.enqueue_indirect_dma source(%dma_start3A_110 : memref<100000x512xf32, #tpu.memory_space<hbm>>) target(%arg7 : memref<64x512xf32, #tpu.memory_space<vmem>>) offsets(%dma_start3A_107 : memref<64xi32, #tpu.memory_space<vmem>>) semaphore(%arg9 : memref<!tpu.dma_semaphore, #tpu.memory_space<semaphore_mem>>)
    %dma_wait3A_111 = arith.constant 6 : i32
    %dma_wait3A_112 = arith.constant 0 : i32
    %dma_wait3A_113 = tpu.memref_slice %arg5[%dma_wait3A_111, %dma_wait3A_112] : memref<8x64xi32, #tpu.memory_space<vmem>> -> memref<1x64xi32, #tpu.memory_space<vmem>>
    %dma_wait3A_114 = tpu.memref_squeeze %dma_wait3A_113 : memref<1x64xi32, #tpu.memory_space<vmem>> -> memref<64xi32, #tpu.memory_space<vmem>>
    %dma_wait3A_115 = arith.constant 0 : i32
    %dma_wait3A_116 = arith.constant 0 : i32
    %dma_wait3A_117 = tpu.memref_slice %arg2[%dma_wait3A_115, %dma_wait3A_116] : memref<100000x512xf32, #tpu.memory_space<hbm>> -> memref<100000x512xf32, #tpu.memory_space<hbm>>
    tpu.wait_indirect_dma semaphore(%arg8 : memref<!tpu.dma_semaphore, #tpu.memory_space<semaphore_mem>>) src(%dma_wait3A_117 : memref<100000x512xf32, #tpu.memory_space<hbm>>) dst(%arg6 : memref<64x512xf32, #tpu.memory_space<vmem>>)
    %add3A_118 = arith.constant 384 : i32
    %add3A_119 = arith.addi %mul3A_2, %add3A_118 : i32
    "tpu.region"() ({
      %run_scoped3A = tpu.sem_alloc : memref<!tpu.dma_semaphore, #tpu.memory_space<semaphore_mem>>
      %dma_start3A_129 = arith.constant 0 : i32
      %dma_start3A_130 = tpu.memref_slice %arg4[%add3A_119, %dma_start3A_129] : memref<16384x512xf32, #tpu.memory_space<hbm>> -> memref<64x512xf32, #tpu.memory_space<hbm>>
      %dma_start3A_131 = arith.constant 0 : i32
      %dma_start3A_132 = tpu.memref_slice %arg4[%add3A_119, %dma_start3A_131] : memref<16384x512xf32, #tpu.memory_space<hbm>> -> memref<64x512xf32, #tpu.memory_space<hbm>>
      tpu.enqueue_dma source(%arg6 : memref<64x512xf32, #tpu.memory_space<vmem>>) target(%dma_start3A_132 : memref<64x512xf32, #tpu.memory_space<hbm>>) target_semaphore(%run_scoped3A : memref<!tpu.dma_semaphore, #tpu.memory_space<semaphore_mem>>)
      %dma_wait3A_133 = arith.constant 0 : i32
      %dma_wait3A_134 = tpu.memref_slice %arg4[%add3A_119, %dma_wait3A_133] : memref<16384x512xf32, #tpu.memory_space<hbm>> -> memref<64x512xf32, #tpu.memory_space<hbm>>
      %dma_wait3A_135 = arith.constant 0 : i32
      %dma_wait3A_136 = tpu.memref_slice %arg4[%add3A_119, %dma_wait3A_135] : memref<16384x512xf32, #tpu.memory_space<hbm>> -> memref<64x512xf32, #tpu.memory_space<hbm>>
      tpu.wait_dma2 semaphore(%run_scoped3A : memref<!tpu.dma_semaphore, #tpu.memory_space<semaphore_mem>>) src(%arg6 : memref<64x512xf32, #tpu.memory_space<vmem>>) dst(%dma_wait3A_136 : memref<64x512xf32, #tpu.memory_space<hbm>>)
      tpu.yield
    }) : () -> ()
    %dma_wait3A_120 = arith.constant 7 : i32
    %dma_wait3A_121 = arith.constant 0 : i32
    %dma_wait3A_122 = tpu.memref_slice %arg5[%dma_wait3A_120, %dma_wait3A_121] : memref<8x64xi32, #tpu.memory_space<vmem>> -> memref<1x64xi32, #tpu.memory_space<vmem>>
    %dma_wait3A_123 = tpu.memref_squeeze %dma_wait3A_122 : memref<1x64xi32, #tpu.memory_space<vmem>> -> memref<64xi32, #tpu.memory_space<vmem>>
    %dma_wait3A_124 = arith.constant 0 : i32
    %dma_wait3A_125 = arith.constant 0 : i32
    %dma_wait3A_126 = tpu.memref_slice %arg2[%dma_wait3A_124, %dma_wait3A_125] : memref<100000x512xf32, #tpu.memory_space<hbm>> -> memref<100000x512xf32, #tpu.memory_space<hbm>>
    tpu.wait_indirect_dma semaphore(%arg9 : memref<!tpu.dma_semaphore, #tpu.memory_space<semaphore_mem>>) src(%dma_wait3A_126 : memref<100000x512xf32, #tpu.memory_space<hbm>>) dst(%arg7 : memref<64x512xf32, #tpu.memory_space<vmem>>)
    %add3A_127 = arith.constant 448 : i32
    %add3A_128 = arith.addi %mul3A_2, %add3A_127 : i32
    "tpu.region"() ({
      %run_scoped3A = tpu.sem_alloc : memref<!tpu.dma_semaphore, #tpu.memory_space<semaphore_mem>>
      %dma_start3A_129 = arith.constant 0 : i32
      %dma_start3A_130 = tpu.memref_slice %arg4[%add3A_128, %dma_start3A_129] : memref<16384x512xf32, #tpu.memory_space<hbm>> -> memref<64x512xf32, #tpu.memory_space<hbm>>
      %dma_start3A_131 = arith.constant 0 : i32
      %dma_start3A_132 = tpu.memref_slice %arg4[%add3A_128, %dma_start3A_131] : memref<16384x512xf32, #tpu.memory_space<hbm>> -> memref<64x512xf32, #tpu.memory_space<hbm>>
      tpu.enqueue_dma source(%arg7 : memref<64x512xf32, #tpu.memory_space<vmem>>) target(%dma_start3A_132 : memref<64x512xf32, #tpu.memory_space<hbm>>) target_semaphore(%run_scoped3A : memref<!tpu.dma_semaphore, #tpu.memory_space<semaphore_mem>>)
      %dma_wait3A_133 = arith.constant 0 : i32
      %dma_wait3A_134 = tpu.memref_slice %arg4[%add3A_128, %dma_wait3A_133] : memref<16384x512xf32, #tpu.memory_space<hbm>> -> memref<64x512xf32, #tpu.memory_space<hbm>>
      %dma_wait3A_135 = arith.constant 0 : i32
      %dma_wait3A_136 = tpu.memref_slice %arg4[%add3A_128, %dma_wait3A_135] : memref<16384x512xf32, #tpu.memory_space<hbm>> -> memref<64x512xf32, #tpu.memory_space<hbm>>
      tpu.wait_dma2 semaphore(%run_scoped3A : memref<!tpu.dma_semaphore, #tpu.memory_space<semaphore_mem>>) src(%arg7 : memref<64x512xf32, #tpu.memory_space<vmem>>) dst(%dma_wait3A_136 : memref<64x512xf32, #tpu.memory_space<hbm>>)
      tpu.yield
    }) : () -> ()
    return
  }
}

module attributes {stable_mosaic.version = 14 : i64} {
  func.func @_lse_body(%arg0: memref<100000x512xf32, #tpu.memory_space<any>>, %arg1: memref<1x512xf32, #tpu.memory_space<vmem>>, %arg2: memref<1000x512xf32, #tpu.memory_space<vmem>>, %arg3: memref<1000x512xf32, #tpu.memory_space<vmem>>, %arg4: memref<1000x512xf32, #tpu.memory_space<vmem>>, %arg5: memref<1000x512xf32, #tpu.memory_space<vmem>>, %arg6: memref<1000x512xf32, #tpu.memory_space<vmem>>, %arg7: memref<!tpu.dma_semaphore, #tpu.memory_space<semaphore_mem>>, %arg8: memref<!tpu.dma_semaphore, #tpu.memory_space<semaphore_mem>>, %arg9: memref<!tpu.dma_semaphore, #tpu.memory_space<semaphore_mem>>, %arg10: memref<!tpu.dma_semaphore, #tpu.memory_space<semaphore_mem>>, %arg11: memref<!tpu.dma_semaphore, #tpu.memory_space<semaphore_mem>>) attributes {dimension_semantics = [], scalar_prefetch = 0 : i64, scratch_operands = 10 : i64, tpu.core_type = #tpu.core_type<tc>} {
    %dma_start3A = arith.constant 0 : i32
    %dma_start3A_0 = arith.constant 0 : i32
    %dma_start3A_1 = tpu.memref_slice %arg0[%dma_start3A, %dma_start3A_0] : memref<100000x512xf32, #tpu.memory_space<any>> -> memref<1000x512xf32, #tpu.memory_space<any>>
    tpu.enqueue_dma source(%dma_start3A_1 : memref<1000x512xf32, #tpu.memory_space<any>>) target(%arg2 : memref<1000x512xf32, #tpu.memory_space<vmem>>) target_semaphore(%arg7 : memref<!tpu.dma_semaphore, #tpu.memory_space<semaphore_mem>>)
    %dma_start3A_2 = arith.constant 1000 : i32
    %dma_start3A_3 = arith.constant 0 : i32
    %dma_start3A_4 = tpu.memref_slice %arg0[%dma_start3A_2, %dma_start3A_3] : memref<100000x512xf32, #tpu.memory_space<any>> -> memref<1000x512xf32, #tpu.memory_space<any>>
    tpu.enqueue_dma source(%dma_start3A_4 : memref<1000x512xf32, #tpu.memory_space<any>>) target(%arg3 : memref<1000x512xf32, #tpu.memory_space<vmem>>) target_semaphore(%arg8 : memref<!tpu.dma_semaphore, #tpu.memory_space<semaphore_mem>>)
    %dma_start3A_5 = arith.constant 2000 : i32
    %dma_start3A_6 = arith.constant 0 : i32
    %dma_start3A_7 = tpu.memref_slice %arg0[%dma_start3A_5, %dma_start3A_6] : memref<100000x512xf32, #tpu.memory_space<any>> -> memref<1000x512xf32, #tpu.memory_space<any>>
    tpu.enqueue_dma source(%dma_start3A_7 : memref<1000x512xf32, #tpu.memory_space<any>>) target(%arg4 : memref<1000x512xf32, #tpu.memory_space<vmem>>) target_semaphore(%arg9 : memref<!tpu.dma_semaphore, #tpu.memory_space<semaphore_mem>>)
    %dma_start3A_8 = arith.constant 3000 : i32
    %dma_start3A_9 = arith.constant 0 : i32
    %dma_start3A_10 = tpu.memref_slice %arg0[%dma_start3A_8, %dma_start3A_9] : memref<100000x512xf32, #tpu.memory_space<any>> -> memref<1000x512xf32, #tpu.memory_space<any>>
    tpu.enqueue_dma source(%dma_start3A_10 : memref<1000x512xf32, #tpu.memory_space<any>>) target(%arg5 : memref<1000x512xf32, #tpu.memory_space<vmem>>) target_semaphore(%arg10 : memref<!tpu.dma_semaphore, #tpu.memory_space<semaphore_mem>>)
    %dma_start3A_11 = arith.constant 4000 : i32
    %dma_start3A_12 = arith.constant 0 : i32
    %dma_start3A_13 = tpu.memref_slice %arg0[%dma_start3A_11, %dma_start3A_12] : memref<100000x512xf32, #tpu.memory_space<any>> -> memref<1000x512xf32, #tpu.memory_space<any>>
    tpu.enqueue_dma source(%dma_start3A_13 : memref<1000x512xf32, #tpu.memory_space<any>>) target(%arg6 : memref<1000x512xf32, #tpu.memory_space<vmem>>) target_semaphore(%arg11 : memref<!tpu.dma_semaphore, #tpu.memory_space<semaphore_mem>>)
    %broadcast_in_dim3A = arith.constant 0.000000e+00 : f32
    %broadcast_in_dim3A_14 = vector.broadcast %broadcast_in_dim3A : f32 to vector<1x512xf32>
    %scan3A = arith.constant 0 : i32
    %scan3A_15 = arith.constant 20 : i32
    %scan3A_16 = arith.addi %scan3A, %scan3A_15 : i32
    %scan3A_17 = arith.constant 1 : i32
    %scan3A_18:2 = scf.for %scan3A_22 = %scan3A to %scan3A_16 step %scan3A_17 iter_args(%scan3A_23 = %broadcast_in_dim3A_14, %scan3A_24 = %broadcast_in_dim3A_14) -> (vector<1x512xf32>, vector<1x512xf32>)  : i32 {
      %mul3A = arith.constant 5 : i32
      %mul3A_25 = arith.muli %scan3A_22, %mul3A : i32
      %add3A_26 = arith.constant 0 : i32
      %add3A_27 = arith.addi %mul3A_25, %add3A_26 : i32
      %dma_wait3A = arith.constant 0 : i32
      %dma_wait3A_28 = arith.constant 0 : i32
      %dma_wait3A_29 = tpu.memref_slice %arg0[%dma_wait3A, %dma_wait3A_28] : memref<100000x512xf32, #tpu.memory_space<any>> -> memref<1000x512xf32, #tpu.memory_space<any>>
      tpu.wait_dma2 semaphore(%arg7 : memref<!tpu.dma_semaphore, #tpu.memory_space<semaphore_mem>>) src(%dma_wait3A_29 : memref<1000x512xf32, #tpu.memory_space<any>>) dst(%arg2 : memref<1000x512xf32, #tpu.memory_space<vmem>>)
      %get3A = arith.constant 0 : index
      %get3A_30 = arith.constant 0 : index
      %get3A_31 = vector.load %arg2[%get3A, %get3A_30] : memref<1000x512xf32, #tpu.memory_space<vmem>>, vector<1000x512xf32>
      %exp3A = math.exp %get3A_31 : vector<1000x512xf32>
      %reduce_sum3A = arith.constant dense<0.000000e+00> : vector<512xf32>
      %reduce_sum3A_32 = vector.multi_reduction <add>, %exp3A, %reduce_sum3A [0] : vector<1000x512xf32> to vector<512xf32>
      %broadcast_in_dim3A_33 = vector.shape_cast %reduce_sum3A_32 : vector<512xf32> to vector<1x512xf32>
      %add3A_34 = arith.addf %scan3A_23, %broadcast_in_dim3A_33 : vector<1x512xf32>
      %add3A_35 = arith.constant 5 : i32
      %add3A_36 = arith.addi %add3A_27, %add3A_35 : i32
      %lt3A = arith.constant 100 : i32
      %lt3A_37 = arith.cmpi slt, %add3A_36, %lt3A : i32
      %convert_element_type3A = arith.extui %lt3A_37 : i1 to i32
      %cond3A = arith.constant 0 : i32
      %cond3A_38 = arith.cmpi ne, %convert_element_type3A, %cond3A : i32
      scf.if %cond3A_38 {
        %add3A_127 = arith.constant 5 : i32
        %add3A_128 = arith.addi %add3A_27, %add3A_127 : i32
        %mul3A_129 = arith.constant 1000 : i32
        %mul3A_130 = arith.muli %add3A_128, %mul3A_129 : i32
        %dma_start3A_131 = arith.constant 0 : i32
        %dma_start3A_132 = tpu.memref_slice %arg0[%mul3A_130, %dma_start3A_131] : memref<100000x512xf32, #tpu.memory_space<any>> -> memref<1000x512xf32, #tpu.memory_space<any>>
        tpu.enqueue_dma source(%dma_start3A_132 : memref<1000x512xf32, #tpu.memory_space<any>>) target(%arg2 : memref<1000x512xf32, #tpu.memory_space<vmem>>) target_semaphore(%arg7 : memref<!tpu.dma_semaphore, #tpu.memory_space<semaphore_mem>>)
      } else {
      }
      %mul3A_39 = arith.constant 5 : i32
      %mul3A_40 = arith.muli %scan3A_22, %mul3A_39 : i32
      %add3A_41 = arith.constant 1 : i32
      %add3A_42 = arith.addi %mul3A_40, %add3A_41 : i32
      %dma_wait3A_43 = arith.constant 0 : i32
      %dma_wait3A_44 = arith.constant 0 : i32
      %dma_wait3A_45 = tpu.memref_slice %arg0[%dma_wait3A_43, %dma_wait3A_44] : memref<100000x512xf32, #tpu.memory_space<any>> -> memref<1000x512xf32, #tpu.memory_space<any>>
      tpu.wait_dma2 semaphore(%arg8 : memref<!tpu.dma_semaphore, #tpu.memory_space<semaphore_mem>>) src(%dma_wait3A_45 : memref<1000x512xf32, #tpu.memory_space<any>>) dst(%arg3 : memref<1000x512xf32, #tpu.memory_space<vmem>>)
      %get3A_46 = arith.constant 0 : index
      %get3A_47 = arith.constant 0 : index
      %get3A_48 = vector.load %arg3[%get3A_46, %get3A_47] : memref<1000x512xf32, #tpu.memory_space<vmem>>, vector<1000x512xf32>
      %exp3A_49 = math.exp %get3A_48 : vector<1000x512xf32>
      %reduce_sum3A_50 = arith.constant dense<0.000000e+00> : vector<512xf32>
      %reduce_sum3A_51 = vector.multi_reduction <add>, %exp3A_49, %reduce_sum3A_50 [0] : vector<1000x512xf32> to vector<512xf32>
      %broadcast_in_dim3A_52 = vector.shape_cast %reduce_sum3A_51 : vector<512xf32> to vector<1x512xf32>
      %add3A_53 = arith.addf %scan3A_24, %broadcast_in_dim3A_52 : vector<1x512xf32>
      %add3A_54 = arith.constant 5 : i32
      %add3A_55 = arith.addi %add3A_42, %add3A_54 : i32
      %lt3A_56 = arith.constant 100 : i32
      %lt3A_57 = arith.cmpi slt, %add3A_55, %lt3A_56 : i32
      %convert_element_type3A_58 = arith.extui %lt3A_57 : i1 to i32
      %cond3A_59 = arith.constant 0 : i32
      %cond3A_60 = arith.cmpi ne, %convert_element_type3A_58, %cond3A_59 : i32
      scf.if %cond3A_60 {
        %add3A_127 = arith.constant 5 : i32
        %add3A_128 = arith.addi %add3A_42, %add3A_127 : i32
        %mul3A_129 = arith.constant 1000 : i32
        %mul3A_130 = arith.muli %add3A_128, %mul3A_129 : i32
        %dma_start3A_131 = arith.constant 0 : i32
        %dma_start3A_132 = tpu.memref_slice %arg0[%mul3A_130, %dma_start3A_131] : memref<100000x512xf32, #tpu.memory_space<any>> -> memref<1000x512xf32, #tpu.memory_space<any>>
        tpu.enqueue_dma source(%dma_start3A_132 : memref<1000x512xf32, #tpu.memory_space<any>>) target(%arg3 : memref<1000x512xf32, #tpu.memory_space<vmem>>) target_semaphore(%arg8 : memref<!tpu.dma_semaphore, #tpu.memory_space<semaphore_mem>>)
      } else {
      }
      %mul3A_61 = arith.constant 5 : i32
      %mul3A_62 = arith.muli %scan3A_22, %mul3A_61 : i32
      %add3A_63 = arith.constant 2 : i32
      %add3A_64 = arith.addi %mul3A_62, %add3A_63 : i32
      %dma_wait3A_65 = arith.constant 0 : i32
      %dma_wait3A_66 = arith.constant 0 : i32
      %dma_wait3A_67 = tpu.memref_slice %arg0[%dma_wait3A_65, %dma_wait3A_66] : memref<100000x512xf32, #tpu.memory_space<any>> -> memref<1000x512xf32, #tpu.memory_space<any>>
      tpu.wait_dma2 semaphore(%arg9 : memref<!tpu.dma_semaphore, #tpu.memory_space<semaphore_mem>>) src(%dma_wait3A_67 : memref<1000x512xf32, #tpu.memory_space<any>>) dst(%arg4 : memref<1000x512xf32, #tpu.memory_space<vmem>>)
      %get3A_68 = arith.constant 0 : index
      %get3A_69 = arith.constant 0 : index
      %get3A_70 = vector.load %arg4[%get3A_68, %get3A_69] : memref<1000x512xf32, #tpu.memory_space<vmem>>, vector<1000x512xf32>
      %exp3A_71 = math.exp %get3A_70 : vector<1000x512xf32>
      %reduce_sum3A_72 = arith.constant dense<0.000000e+00> : vector<512xf32>
      %reduce_sum3A_73 = vector.multi_reduction <add>, %exp3A_71, %reduce_sum3A_72 [0] : vector<1000x512xf32> to vector<512xf32>
      %broadcast_in_dim3A_74 = vector.shape_cast %reduce_sum3A_73 : vector<512xf32> to vector<1x512xf32>
      %add3A_75 = arith.addf %add3A_34, %broadcast_in_dim3A_74 : vector<1x512xf32>
      %add3A_76 = arith.constant 5 : i32
      %add3A_77 = arith.addi %add3A_64, %add3A_76 : i32
      %lt3A_78 = arith.constant 100 : i32
      %lt3A_79 = arith.cmpi slt, %add3A_77, %lt3A_78 : i32
      %convert_element_type3A_80 = arith.extui %lt3A_79 : i1 to i32
      %cond3A_81 = arith.constant 0 : i32
      %cond3A_82 = arith.cmpi ne, %convert_element_type3A_80, %cond3A_81 : i32
      scf.if %cond3A_82 {
        %add3A_127 = arith.constant 5 : i32
        %add3A_128 = arith.addi %add3A_64, %add3A_127 : i32
        %mul3A_129 = arith.constant 1000 : i32
        %mul3A_130 = arith.muli %add3A_128, %mul3A_129 : i32
        %dma_start3A_131 = arith.constant 0 : i32
        %dma_start3A_132 = tpu.memref_slice %arg0[%mul3A_130, %dma_start3A_131] : memref<100000x512xf32, #tpu.memory_space<any>> -> memref<1000x512xf32, #tpu.memory_space<any>>
        tpu.enqueue_dma source(%dma_start3A_132 : memref<1000x512xf32, #tpu.memory_space<any>>) target(%arg4 : memref<1000x512xf32, #tpu.memory_space<vmem>>) target_semaphore(%arg9 : memref<!tpu.dma_semaphore, #tpu.memory_space<semaphore_mem>>)
      } else {
      }
      %mul3A_83 = arith.constant 5 : i32
      %mul3A_84 = arith.muli %scan3A_22, %mul3A_83 : i32
      %add3A_85 = arith.constant 3 : i32
      %add3A_86 = arith.addi %mul3A_84, %add3A_85 : i32
      %dma_wait3A_87 = arith.constant 0 : i32
      %dma_wait3A_88 = arith.constant 0 : i32
      %dma_wait3A_89 = tpu.memref_slice %arg0[%dma_wait3A_87, %dma_wait3A_88] : memref<100000x512xf32, #tpu.memory_space<any>> -> memref<1000x512xf32, #tpu.memory_space<any>>
      tpu.wait_dma2 semaphore(%arg10 : memref<!tpu.dma_semaphore, #tpu.memory_space<semaphore_mem>>) src(%dma_wait3A_89 : memref<1000x512xf32, #tpu.memory_space<any>>) dst(%arg5 : memref<1000x512xf32, #tpu.memory_space<vmem>>)
      %get3A_90 = arith.constant 0 : index
      %get3A_91 = arith.constant 0 : index
      %get3A_92 = vector.load %arg5[%get3A_90, %get3A_91] : memref<1000x512xf32, #tpu.memory_space<vmem>>, vector<1000x512xf32>
      %exp3A_93 = math.exp %get3A_92 : vector<1000x512xf32>
      %reduce_sum3A_94 = arith.constant dense<0.000000e+00> : vector<512xf32>
      %reduce_sum3A_95 = vector.multi_reduction <add>, %exp3A_93, %reduce_sum3A_94 [0] : vector<1000x512xf32> to vector<512xf32>
      %broadcast_in_dim3A_96 = vector.shape_cast %reduce_sum3A_95 : vector<512xf32> to vector<1x512xf32>
      %add3A_97 = arith.addf %add3A_53, %broadcast_in_dim3A_96 : vector<1x512xf32>
      %add3A_98 = arith.constant 5 : i32
      %add3A_99 = arith.addi %add3A_86, %add3A_98 : i32
      %lt3A_100 = arith.constant 100 : i32
      %lt3A_101 = arith.cmpi slt, %add3A_99, %lt3A_100 : i32
      %convert_element_type3A_102 = arith.extui %lt3A_101 : i1 to i32
      %cond3A_103 = arith.constant 0 : i32
      %cond3A_104 = arith.cmpi ne, %convert_element_type3A_102, %cond3A_103 : i32
      scf.if %cond3A_104 {
        %add3A_127 = arith.constant 5 : i32
        %add3A_128 = arith.addi %add3A_86, %add3A_127 : i32
        %mul3A_129 = arith.constant 1000 : i32
        %mul3A_130 = arith.muli %add3A_128, %mul3A_129 : i32
        %dma_start3A_131 = arith.constant 0 : i32
        %dma_start3A_132 = tpu.memref_slice %arg0[%mul3A_130, %dma_start3A_131] : memref<100000x512xf32, #tpu.memory_space<any>> -> memref<1000x512xf32, #tpu.memory_space<any>>
        tpu.enqueue_dma source(%dma_start3A_132 : memref<1000x512xf32, #tpu.memory_space<any>>) target(%arg5 : memref<1000x512xf32, #tpu.memory_space<vmem>>) target_semaphore(%arg10 : memref<!tpu.dma_semaphore, #tpu.memory_space<semaphore_mem>>)
      } else {
      }
      %mul3A_105 = arith.constant 5 : i32
      %mul3A_106 = arith.muli %scan3A_22, %mul3A_105 : i32
      %add3A_107 = arith.constant 4 : i32
      %add3A_108 = arith.addi %mul3A_106, %add3A_107 : i32
      %dma_wait3A_109 = arith.constant 0 : i32
      %dma_wait3A_110 = arith.constant 0 : i32
      %dma_wait3A_111 = tpu.memref_slice %arg0[%dma_wait3A_109, %dma_wait3A_110] : memref<100000x512xf32, #tpu.memory_space<any>> -> memref<1000x512xf32, #tpu.memory_space<any>>
      tpu.wait_dma2 semaphore(%arg11 : memref<!tpu.dma_semaphore, #tpu.memory_space<semaphore_mem>>) src(%dma_wait3A_111 : memref<1000x512xf32, #tpu.memory_space<any>>) dst(%arg6 : memref<1000x512xf32, #tpu.memory_space<vmem>>)
      %get3A_112 = arith.constant 0 : index
      %get3A_113 = arith.constant 0 : index
      %get3A_114 = vector.load %arg6[%get3A_112, %get3A_113] : memref<1000x512xf32, #tpu.memory_space<vmem>>, vector<1000x512xf32>
      %exp3A_115 = math.exp %get3A_114 : vector<1000x512xf32>
      %reduce_sum3A_116 = arith.constant dense<0.000000e+00> : vector<512xf32>
      %reduce_sum3A_117 = vector.multi_reduction <add>, %exp3A_115, %reduce_sum3A_116 [0] : vector<1000x512xf32> to vector<512xf32>
      %broadcast_in_dim3A_118 = vector.shape_cast %reduce_sum3A_117 : vector<512xf32> to vector<1x512xf32>
      %add3A_119 = arith.addf %add3A_75, %broadcast_in_dim3A_118 : vector<1x512xf32>
      %add3A_120 = arith.constant 5 : i32
      %add3A_121 = arith.addi %add3A_108, %add3A_120 : i32
      %lt3A_122 = arith.constant 100 : i32
      %lt3A_123 = arith.cmpi slt, %add3A_121, %lt3A_122 : i32
      %convert_element_type3A_124 = arith.extui %lt3A_123 : i1 to i32
      %cond3A_125 = arith.constant 0 : i32
      %cond3A_126 = arith.cmpi ne, %convert_element_type3A_124, %cond3A_125 : i32
      scf.if %cond3A_126 {
        %add3A_127 = arith.constant 5 : i32
        %add3A_128 = arith.addi %add3A_108, %add3A_127 : i32
        %mul3A_129 = arith.constant 1000 : i32
        %mul3A_130 = arith.muli %add3A_128, %mul3A_129 : i32
        %dma_start3A_131 = arith.constant 0 : i32
        %dma_start3A_132 = tpu.memref_slice %arg0[%mul3A_130, %dma_start3A_131] : memref<100000x512xf32, #tpu.memory_space<any>> -> memref<1000x512xf32, #tpu.memory_space<any>>
        tpu.enqueue_dma source(%dma_start3A_132 : memref<1000x512xf32, #tpu.memory_space<any>>) target(%arg6 : memref<1000x512xf32, #tpu.memory_space<vmem>>) target_semaphore(%arg11 : memref<!tpu.dma_semaphore, #tpu.memory_space<semaphore_mem>>)
      } else {
      }
      scf.yield %add3A_119, %add3A_97 : vector<1x512xf32>, vector<1x512xf32>
    }
    %scan3A_19 = arith.constant 20 : i32
    %add3A = arith.addf %scan3A_18#0, %scan3A_18#1 : vector<1x512xf32>
    %log3A = math.log %add3A : vector<1x512xf32>
    %swap3A = arith.constant 0 : index
    %swap3A_20 = arith.constant 0 : index
    %swap3A_21 = vector.load %arg1[%swap3A, %swap3A_20] : memref<1x512xf32, #tpu.memory_space<vmem>>, vector<1x512xf32>
    tpu.vector_store %arg1[%swap3A, %swap3A_20], %log3A {strides = array<i32>} : memref<1x512xf32, #tpu.memory_space<vmem>>, vector<1x512xf32>,
    return
  }
}

module attributes {stable_mosaic.version = 14 : i64} {
  func.func @_epilogue_body(%arg0: i32, %arg1: memref<4096x512xf32, #tpu.memory_space<vmem>>, %arg2: memref<1x512xf32, #tpu.memory_space<vmem>>, %arg3: memref<4096x512xf32, #tpu.memory_space<vmem>>) attributes {dimension_semantics = [#tpu.dimension_semantics<arbitrary>], iteration_bounds = array<i64: 4>, scalar_prefetch = 0 : i64, scratch_operands = 0 : i64, tpu.core_type = #tpu.core_type<tc>, window_params = [{transform_indices = @transform_0, window_bounds = array<i64: 4096, 512>}, {pipeline_mode = #tpu.pipeline_mode<synchronous>, transform_indices = @transform_1, window_bounds = array<i64: 1, 512>}, {transform_indices = @transform_2, window_bounds = array<i64: 4096, 512>}]} {
    %get3A = arith.constant 0 : index
    %get3A_0 = arith.constant 0 : index
    %get3A_1 = vector.load %arg1[%get3A, %get3A_0] : memref<4096x512xf32, #tpu.memory_space<vmem>>, vector<4096x512xf32>
    %get3A_2 = arith.constant 0 : index
    %get3A_3 = arith.constant 0 : index
    %get3A_4 = vector.load %arg2[%get3A_2, %get3A_3] : memref<1x512xf32, #tpu.memory_space<vmem>>, vector<1x512xf32>
    %sub3A = vector.broadcast %get3A_4 : vector<1x512xf32> to vector<4096x512xf32>
    %sub3A_5 = arith.subf %get3A_1, %sub3A : vector<4096x512xf32>
    %swap3A = arith.constant 0 : index
    %swap3A_6 = arith.constant 0 : index
    %swap3A_7 = vector.load %arg3[%swap3A, %swap3A_6] : memref<4096x512xf32, #tpu.memory_space<vmem>>, vector<4096x512xf32>
    tpu.vector_store %arg3[%swap3A, %swap3A_6], %sub3A_5 {strides = array<i32>} : memref<4096x512xf32, #tpu.memory_space<vmem>>, vector<4096x512xf32>,
    return
  }
  func.func @transform_0(%arg0: i32) -> (i32, i32) {
    %c0_i32 = arith.constant 0 : i32
    %c0_i32_0 = arith.constant 0 : i32
    return %arg0, %c0_i32 : i32, i32
  }
  func.func @transform_1(%arg0: i32) -> (i32, i32) {
    %c0_i32 = arith.constant 0 : i32
    %c0_i32_0 = arith.constant 0 : i32
    %c0_i32_1 = arith.constant 0 : i32
    return %c0_i32, %c0_i32_0 : i32, i32
  }
  func.func @transform_2(%arg0: i32) -> (i32, i32) {
    %c0_i32 = arith.constant 0 : i32
    %c0_i32_0 = arith.constant 0 : i32
    return %arg0, %c0_i32 : i32, i32
  }
}

</mosaic_0001>

<sc_bundles>
// kernel: kernel.5.cloned.1.call-start
scs
__scs_entry_jumppad:
0x0: {  	(pc) =	sbr.rel $0x88, $3  }
0x1: {  	(tag) =	ssettag $0x0;
	lr =	simm.s32 $0x1  }
0x2: {  	[smem:$0x3F9F] =	sst lr;
	_ =	strace $0xD0000000  }
0x3: {  	_ = 	snop  }
0x4: {  	_ = 	snop  }
0x5: {  	_ = 	snop  }
0x6: {  	_ = 	snop  }
0x7: {  	_ = 	snop  }
__scs_overlays_trampoline_lowered:
0x8: {  	[smem:$0x3FAE] =	sst s0  }
0x9: {  	[smem:$0x3FAF] =	sst s1  }
0xa: {  	[smem:$0x3FB0] =	sst s2  }
0xb: {  	[smem:$0x3FB1] =	sst s3  }
0xc: {  	[smem:$0x3FB2] =	sst s4  }
0xd: {  	[smem:$0x3FB3] =	sst s5  }
0xe: {  	[smem:$0x3FB4] =	sst s6  }
0xf: {  	[smem:$0x3FB5] =	sst s7  }
0x10: {  	[smem:$0x3FB6] =	sst s8  }
0x11: {  	[smem:$0x3FB7] =	sst s9;
	s0 =	simm.s32 @!p0 $0x0  }
0x12: {  	s1 =	sld [smem:$0x3F9D];
	s0 =	simm.s32 @p0 $0x1  }
0x13: {  	[smem:$0x3FB8] =	sst s0;
	s0 =	simm.s32 @!p1 $0x0  }
0x14: {  	s2 =	sld [smem:$0x3F9C];
	s0 =	simm.s32 @p1 $0x1  }
0x15: {  	[smem:$0x3FB9] =	sst s0;
	s0 =	simm.s32 @!p2 $0x0  }
0x16: {  	s3 =	sld [smem:$0x3FDB];
	s0 =	simm.s32 @p2 $0x1  }
0x17: {  	s4 =	simm.s32 $0x1BF5;
	[smem:$0x3FBB] =	sst s0  }
0x18: {  	s0 =	sld [smem:$0x3F9E];
	_ =	swait.ge [sflag:s4], $0x0  }
0x19: {  	s7 =	sld [smem:$0x3F9F]  }
0x1a: {  	s8 =	sadd.s32 $0xFFFFE003, lr  }
0x1b: {  	s9 =	sadd.s32 $0xFFFFFEF7, lr;
	s5 =	simm.s32 $0xFFFFFFFF;
	p2 =	slt.u32 s8, $0xFFFFF086  }
0x1c: {  	p1 =	slt.u32 s9, $0xF7A;
	s5 =	simm.s32 @!p2 $0x0  }
0x1d: {  	s5 =	simm.s32 @p1 $0x1;
	p0 =	seq.s32 s7, s2  }
0x1e: {  	s7 =	smul.u32 @!p0 $0xF7A, s2;
	p2 =	seq.s32 @!p0 s5, $0x0  }
0x1f: {  	s9 =	smul.u32 $0xF7A, s1;
	s8 =	simm.s32 @!p0 $0x1BF5;
	p2 =	por !p2, p0  }
0x20: {  	[sflag:s8] =	ssyncset.s32 @!p0 $0xFFFFF086;
	s6 =	sadd.s32 @!p0 s3, s7;
	s7 =	simm.s32 @!p0 $0x108  }
0x21: {  	s3 =	sadd.s32 s3, s9;
	s6 =	sadd.s32 @!p0 $0x88, s6;
	s7 =	simm.s32 @p2 $0x1082  }
0x22: {  	[simem:s7], [sflag:s8] =	dma.local @!p0 [hbm:s6], $0xF7A  }
0x23: {  	s9 =	sor.u32 $0xD0000000, s2;
	s6 =	simm.s32 $0x108;
	_ =	swait.ge @!p0 [sflag:s8], $0x0  }
0x24: {  	s3 =	sadd.s32 $0x88, s3;
	s6 =	simm.s32 @!p1 $0x1082;
	[sflag:s4] =	ssyncset.s32 $0xFFFFF086  }
0x25: {  	[simem:s6], [sflag:s4] =	dma.local [hbm:s3], $0xF7A  }
0x26: {  	[smem:$0x3F9F] =	sst s1;
	(tag) =	ssettag s2;
	_ =	strace s9  }
0x27: {  	s1 =	sld [smem:$0x3FAF]  }
0x28: {  	s2 =	sld [smem:$0x3FB0]  }
0x29: {  	s4 =	sld [smem:$0x3FB2]  }
0x2a: {  	p0 =	seq.s32 s5, $0x0;
	s5 =	sld [smem:$0x3FB3]  }
0x2b: {  	s6 =	sld [smem:$0x3FB4]  }
0x2c: {  	s7 =	sld [smem:$0x3FB5]  }
0x2d: {  	s3 =	simm.s32 $0x108;
	s8 =	sld [smem:$0x3FB6]  }
0x2e: {  	s3 =	simm.s32 @!p0 $0x1082;
	s9 =	sld [smem:$0x3FB7]  }
0x2f: {  	lr =	sadd.s32 s0, s3;
	s0 =	sld [smem:$0x3FAE]  }
0x30: {  	s3 =	sld [smem:$0x3FB1]  }
0x31: {  	[smem:$0x3FBA] =	sst s10  }
0x32: {  	s10 =	sld [smem:$0x3FB8];
	_ =	sdelay $0x3  }
0x33: {  	p0 =	seq.s32 s10, $0x1;
	s10 =	sld [smem:$0x3FBA];
	_ =	sdelay $0x3  }
0x34: {  	[smem:$0x3FBA] =	sst s10  }
0x35: {  	s10 =	sld [smem:$0x3FB9];
	_ =	sdelay $0x3  }
0x36: {  	p1 =	seq.s32 s10, $0x1;
	s10 =	sld [smem:$0x3FBA];
	_ =	sdelay $0x3  }
0x37: {  	[smem:$0x3FBA] =	sst s10  }
0x38: {  	s10 =	sld [smem:$0x3FBB]  }
0x39: {  	_ = 	snop;
	(pc) =	sbr.ind lr, $3  }
0x3a: {  	_ = 	snop  }
0x3b: {  	_ = 	snop  }
0x3c: {  	p2 =	seq.s32 s10, $0x1;
	s10 =	sld [smem:$0x3FBA]  }
0x3d: {  	_ =	shalt  }
0x3e: {  	_ =	shalt  }
0x3f: {  	_ =	shalt  }
0x40: {  	_ =	shalt  }
0x41: {  	_ =	shalt  }
0x42: {  	_ =	shalt  }
0x43: {  	_ =	shalt  }
0x44: {  	_ =	shalt  }
0x45: {  	_ =	shalt  }
0x46: {  	_ =	shalt  }
0x47: {  	_ =	shalt  }
0x48: {  	_ =	shalt  }
0x49: {  	_ =	shalt  }
0x4a: {  	_ =	shalt  }
0x4b: {  	_ =	shalt  }
0x4c: {  	_ =	shalt  }
0x4d: {  	_ =	shalt  }
0x4e: {  	_ =	shalt  }
0x4f: {  	_ =	shalt  }
0x50: {  	_ =	shalt  }
0x51: {  	_ =	shalt  }
0x52: {  	_ =	shalt  }
0x53: {  	_ =	shalt  }
0x54: {  	_ =	shalt  }
0x55: {  	_ =	shalt  }
0x56: {  	_ =	shalt  }
0x57: {  	_ =	shalt  }
0x58: {  	_ =	shalt  }
0x59: {  	_ =	shalt  }
0x5a: {  	_ =	shalt  }
0x5b: {  	_ =	shalt  }
0x5c: {  	_ =	shalt  }
0x5d: {  	_ =	shalt  }
0x5e: {  	_ =	shalt  }
0x5f: {  	_ =	shalt  }
0x60: {  	_ =	shalt  }
0x61: {  	_ =	shalt  }
0x62: {  	_ =	shalt  }
0x63: {  	_ =	shalt  }
0x64: {  	_ =	shalt  }
0x65: {  	_ =	shalt  }
0x66: {  	_ =	shalt  }
0x67: {  	_ =	shalt  }
0x68: {  	_ =	shalt  }
0x69: {  	_ =	shalt  }
0x6a: {  	_ =	shalt  }
0x6b: {  	_ =	shalt  }
0x6c: {  	_ =	shalt  }
0x6d: {  	_ =	shalt  }
0x6e: {  	_ =	shalt  }
0x6f: {  	_ =	shalt  }
0x70: {  	_ =	shalt  }
0x71: {  	_ =	shalt  }
0x72: {  	_ =	shalt  }
0x73: {  	_ =	shalt  }
0x74: {  	_ =	shalt  }
0x75: {  	_ =	shalt  }
0x76: {  	_ =	shalt  }
0x77: {  	_ =	shalt  }
0x78: {  	_ =	shalt  }
0x79: {  	_ =	shalt  }
0x7a: {  	_ =	shalt  }
0x7b: {  	_ =	shalt  }
0x7c: {  	_ =	shalt  }
0x7d: {  	_ =	shalt  }
0x7e: {  	_ =	shalt  }
0x7f: {  	_ =	shalt  }
0x80: {  	_ =	shalt  }
0x81: {  	_ =	shalt  }
0x82: {  	_ =	shalt  }
0x83: {  	_ =	shalt  }
0x84: {  	_ =	shalt  }
0x85: {  	_ =	shalt  }
0x86: {  	_ =	shalt  }
0x87: {  	_ =	shalt  }
.Lfunc_end0:
.L_simem_size_0:
called_computation_lowered:
.L_overlay_start_0:
0x88: {  	s2 =	sld [smem:$0x3FD9]  }
0x89: {  	s3 =	sld [smem:$0x3FFE];
	_ =	sdelay $0x1  }
0x8a: {  	s1 =	srdreg.scid  }
0x8b: {  	s0 =	sand.u32 $0x1, s1  }
0x8c: {  	s17 =	sshll.u32 s0, $0xA;
	s2 =	sadd.s32 s3, s2  }
0x8d: {  	s2 =	sadd.s32 s2, s17  }
0x8e: {  	[smem:$0x3FC6] =	sst s2  }
0x8f: {  	_ = 	snop  }
0x90: {  	s2 =	sld [smem:$0x3FC8]  }
0x91: {  	s18 =	sld [smem:$0x3FD0];
	(tm) =	ssettm $0x1  }
0x92: {  	s4 =	sld [smem:$0x3FFB];
	_ =	sdelay $0x3  }
0x93: {  	_ =	strace s4  }
0x94: {  	s4 =	sld [smem:$0x3FFC];
	_ =	sdelay $0x3  }
0x95: {  	_ =	strace s4  }
0x96: {  	s4 =	sld [smem:$0x3FFD];
	_ =	sdelay $0x3  }
0x97: {  	_ =	strace s4  }
0x98: {  	_ =	strace $0x8FFFFFFF  }
0x99: {  	s19 =	sld [smem:$0x3FDB];
	_ =	sdelay $0x1  }
0x9a: {  	s5 =	simm.s32 $_scs_section_size  }
0x9b: {  	s6 =	simm.s32 $_size__tile_overlayer_lowered;
	s7 =	simm.s32 $_tile_overlayer_lowered  }
0x9c: {  	s22 =	simm.s32 $0x1BFF;
	s21 =	sshll.u32 s7, $0x1;
	s4 =	sadd.s32 s5, s19  }
0x9d: {  	s8 =	simm.s32 $0x0;
	s20 =	sshll.u32 s6, $0x1;
	s6 =	sadd.s32 s21, s4  }
0x9e: {  	[timem:s8], [sflag:s22] =	dma.local [hbm:s6], s20  }
0x9f: {  	_ =	swait.ge [sflag:s22], s20  }
0xa0: {  	s5 =	ssub.s32 $0x0, s20;
	[sflag:s22] =	ssyncset.done $0x0  }
0xa1: {  	[sflag:s22] =	ssyncadd.s32 s5;
	_ =	sdelay $0x1  }
0xa2: {  	s23 =	simm.s32 $0x1B8B  }
0xa3: {  	_ =	swait.ge [sflag:s23], $0x1  }
0xa4: {  	[sflag:s23] =	ssyncset.done $0x0  }
0xa5: {  	s25 =	simm.s32 $0x1B8E;
	s24 =	sld [smem:$0x3FFE];
	[sflag:s23] =	ssyncadd.s32 $0xFFFFFFFF  }
0xa6: {  	s26 =	simm.s32 $execute0_lowered;
	[smem:$0x3FD2] =	sst s25  }
0xa7: {  	s6 =	sshll.u32 s26, $0x1;
	_ =	strace $0x80000046;
	[dreg:$0x1] =	wrdreg $0xFFFFFFFF  }
0xa8: {  	s28 =	simm.s32 $_size_execute0_lowered;
	s4 =	sadd.s32 s4, s6;
	[dreg:$0x0] =	wrdreg $0x0  }
0xa9: {  	s6 =	sshll.u32 s28, $0x1;
	[dreg:$0x2] =	wrdreg s4  }
0xaa: {  	[dreg:$0x3] =	wrdreg s6  }
0xab: {  	[dreg:$0x4] =	wrdreg $0xC0  }
0xac: {  	_ =	task [dreg:s8], $0x5FFFF  }
0xad: {  	[dreg:$0x1] =	wrdreg $0xFFFFFFFF  }
0xae: {  	[dreg:$0x0] =	wrdreg $0x60  }
0xaf: {  	[dreg:$0x2] =	wrdreg s2  }
0xb0: {  	[dreg:$0x3] =	wrdreg s18  }
0xb1: {  	[dreg:$0x4] =	wrdreg s24  }
0xb2: {  	[dreg:$0x5] =	wrdreg $0x9  }
0xb3: {  	_ =	task.clear_ibuf [dreg:s8], $0x6FFFF;
	_ =	strace $0x90000046  }
0xb4: {  	s29 =	simm.s32 $0x9;
	_ =	strace $0x80000048  }
0xb5: {  	_ =	swait.ge [sflag:s29], $0x1  }
0xb6: {  	[sflag:s29] =	ssyncadd.s32 $0xFFFFFFFF  }
0xb7: {  	_ =	strace $0x90000048  }
0xb8: {  	_ =	sfence  }
0xb9: {  	s30 =	sld [smem:$0x0];
	_ =	sdelay $0x2  }
0xba: {  	s31 =	sshll.u32 s1, $0xD;
	s1 =	sshrl.u32 s1, $0x2  }
0xbb: {  	s3 =	sand.u32 $0x4000, s31;
	s1 =	sadd.s32 s1, s30  }
0xbc: {  	s0 =	sor.u32 s3, s0;
	s1 =	sshll.u32 s1, $0x11  }
0xbd: {  	s0 =	sor.u32 s1, s0  }
0xbe: {  	s0 =	sadd.s32 $0x8F2B, s0  }
0xbf: {  	[sflag:s0] =	ssyncadd.remote.s32 $0x1  }
0xc0: {  	_ =	sfence.sel $0xFFFF  }
0xc1: {  	[dreg:$0x0] =	wrdreg $0xFFFFFFFF;
	(pc) =	sbr.abs _section_cstart, $3  }
0xc2: {  	[dreg:$0x1] =	wrdreg $0xFFFFFFFF  }
0xc3: {  	_ =	task.clear_ibuf [dreg:s8], $0x2FFFF;
	_ =	strace $0x9FFFFFFF  }
0xc4: {  	(tm) =	ssettm $0x7FFFFFFF  }
0xc5: {  	_ =	shalt  }
tec
execute0_lowered:
.L_overlay_start_1:
0x0: {  	(tag) =	ssettag $0x1  }
0x1: {  	s1 =	rddreg [dreg:$0x0]  }
0x2: {  	s2 =	srdreg.scid;
	s3 =	stileid.u32  }
0x3: {  	s0 =	rddreg [dreg:$0x1];
	s2 =	sand.u32 $0x1, s2;
	s5 =	sshll.u32 s3, $0x1  }
0x4: {  	s4 =	rddreg [dreg:$0x2];
	s29 =	simm.s32 $0x400;
	s5 =	sor.u32 s2, s5  }
0x5: {  	s3 =	simm.s32 $0x0;
	s6 =	sshll.u32 s5, $0xF;
	s5 =	sshll.u32 s5, $0x7  }
0x6: {  	[smem:$0x7FF] =	sst s3;
	s4 =	sadd.s32 s6, s4;
	s0 =	sadd.s32 s0, s5  }
0x7: {  	_ =	strace $0x80000047;
	[dreg:$0x4] =	wrdreg s0;
	s21 =	sadd.s32 $0x400, s4  }
0x8: {  	s14 =	simm.s32 $0x1;
	s22 =	sadd.s32 $0x1400, s4;
	[dreg:$0x5] =	wrdreg s21  }
0x9: {  	s15 =	simm.s32 $0x2;
	s23 =	sadd.s32 $0x2400, s4;
	[dreg:$0x6] =	wrdreg s22  }
0xa: {  	s2 =	ssub.s32 $0x2, s2;
	s24 =	sadd.s32 $0x3400, s4;
	[dreg:$0x7] =	wrdreg s23  }
0xb: {  	s30 =	sshrl.u32 s2, $0x1;
	s25 =	sadd.s32 $0x4400, s4;
	[dreg:$0x8] =	wrdreg s24  }
0xc: {  	s2 =	ssub.s32 s2, s30;
	s26 =	sadd.s32 $0x5400, s4;
	[dreg:$0x9] =	wrdreg s25  }
0xd: {  	v2 =	vlaneseq.u32;
	s6 =	simm.s32 $0x3;
	s28 =	sadd.s32 $0x6400, s4;
	[dreg:$0xa] =	wrdreg s26  }
0xe: {  	vm0 =	vmmov $0xffff;
	v1 =	vshrl.u32 v2, $0x3;
	s31 =	sadd.s32 $0x7400, s4;
	s4 =	sadd.s32 $0x100, s1;
	[dreg:$0xb] =	wrdreg s28  }
0xf: {  	v0 =	vand.u32 $0x7, v2;
	v2 =	vor.u32 $0x8, v2;
	v1 =	vmul.u32 $0x8, v1;
	s5 =	smax.u32 s2, $0x1;
	[dreg:$0xc] =	wrdreg s31;
	s23 =	simm.s32 $0x8400  }
.LBB2_1:
0x10: {  	s16 =	rddreg [dreg:$0x4]  }
0x11: {  	[tilespmem:s3], [sflag:$0x3] =	stream.linear.gather [hbm4b:s16+s3], $0x400, $0x38;
	[tilespmem:$0x10400] =	vst v63  }
0x12: {  	_ =	swait.ge [sflag:s6], $0x400  }
0x13: {  	[sflag:s6] =	ssyncset.done $0x0  }
0x14: {  	[sflag:s6] =	ssyncadd.s32 $0xFFFFFC00  }
0x15: {  	v3 =	vld [tilespmem:$0x0];
	_ =	sdelay $0x4  }
0x16: {  	v4 =	vshll.u32 v3, $0x2  }
0x17: {  	v3 =	vand.u32 $0x7, v3;
	v4 =	vand.u32 $0xFFFFFFE0, v4  }
0x18: {  	v3 =	vor.u32 v3, v4  }
0x19: {  	v4 =	vperm.xlane v3, v0;
	_ =	sdelay $0x1  }
0x1a: {  	v4 =	vadd.s32 v1, v4;
	_ =	sdelay $0x1  }
0x1b: {  	v3 =	vperm.xlane v3, v2;
	_ =	sdelay $0x1  }
0x1c: {  	v3 =	vadd.s32 v1, v3  }
0x1d: {  	[tilespmem:s29], [sflag:$0x1] =	stream.indirect_vreg.gather [hbm4b:s1+s3], $0x80, v4, vm0, $0xb8;
	[tilespmem:$0x10400] =	vst v63  }
0x1e: {  	s0 =	simm.s32 $0xC00  }
0x1f: {  	[tilespmem:s0], [sflag:$0x1] =	stream.indirect_vreg.gather [hbm4b:s4+s3], $0x80, v4, vm0, $0xb8;
	[tilespmem:$0x10400] =	vst v63  }
0x20: {  	s22 =	simm.s32 $0x1400  }
0x21: {  	[tilespmem:s22], [sflag:$0x1] =	stream.indirect_vreg.gather [hbm4b:s1+s3], $0x80, v3, vm0, $0xb8;
	[tilespmem:$0x10400] =	vst v63  }
0x22: {  	s24 =	simm.s32 $0x1C00  }
0x23: {  	[tilespmem:s24], [sflag:$0x1] =	stream.indirect_vreg.gather [hbm4b:s4+s3], $0x80, v3, vm0, $0xb8;
	[tilespmem:$0x10400] =	vst v63  }
0x24: {  	v3 =	vld [tilespmem:$0x10];
	_ =	sdelay $0x4  }
0x25: {  	v33 =	vshll.u32 v3, $0x2  }
0x26: {  	v3 =	vand.u32 $0x7, v3;
	v4 =	vand.u32 $0xFFFFFFE0, v33  }
0x27: {  	v3 =	vor.u32 v3, v4  }
0x28: {  	v4 =	vperm.xlane v3, v0;
	_ =	sdelay $0x1  }
0x29: {  	v4 =	vadd.s32 v1, v4;
	_ =	sdelay $0x1  }
0x2a: {  	v3 =	vperm.xlane v3, v2;
	_ =	sdelay $0x1  }
0x2b: {  	s25 =	simm.s32 $0x2400;
	v3 =	vadd.s32 v1, v3  }
0x2c: {  	[tilespmem:s25], [sflag:$0x1] =	stream.indirect_vreg.gather [hbm4b:s1+s3], $0x80, v4, vm0, $0xb8;
	[tilespmem:$0x10400] =	vst v63  }
0x2d: {  	s26 =	simm.s32 $0x2C00  }
0x2e: {  	[tilespmem:s26], [sflag:$0x1] =	stream.indirect_vreg.gather [hbm4b:s4+s3], $0x80, v4, vm0, $0xb8;
	[tilespmem:$0x10400] =	vst v63  }
0x2f: {  	s28 =	simm.s32 $0x3400  }
0x30: {  	[tilespmem:s28], [sflag:$0x1] =	stream.indirect_vreg.gather [hbm4b:s1+s3], $0x80, v3, vm0, $0xb8;
	[tilespmem:$0x10400] =	vst v63  }
0x31: {  	s30 =	simm.s32 $0x3C00  }
0x32: {  	[tilespmem:s30], [sflag:$0x1] =	stream.indirect_vreg.gather [hbm4b:s4+s3], $0x80, v3, vm0, $0xb8;
	[tilespmem:$0x10400] =	vst v63  }
0x33: {  	v3 =	vld [tilespmem:$0x20];
	_ =	sdelay $0x4  }
0x34: {  	v34 =	vshll.u32 v3, $0x2  }
0x35: {  	v3 =	vand.u32 $0x7, v3;
	v4 =	vand.u32 $0xFFFFFFE0, v34  }
0x36: {  	v3 =	vor.u32 v3, v4  }
0x37: {  	v4 =	vperm.xlane v3, v0;
	_ =	sdelay $0x1  }
0x38: {  	v4 =	vadd.s32 v1, v4;
	_ =	sdelay $0x1  }
0x39: {  	v3 =	vperm.xlane v3, v2;
	_ =	sdelay $0x1  }
0x3a: {  	s31 =	simm.s32 $0x4400;
	v3 =	vadd.s32 v1, v3  }
0x3b: {  	[tilespmem:s31], [sflag:$0x1] =	stream.indirect_vreg.gather [hbm4b:s1+s3], $0x80, v4, vm0, $0xb8;
	[tilespmem:$0x10400] =	vst v63  }
0x3c: {  	s7 =	simm.s32 $0x4C00  }
0x3d: {  	[tilespmem:s7], [sflag:$0x1] =	stream.indirect_vreg.gather [hbm4b:s4+s3], $0x80, v4, vm0, $0xb8;
	[tilespmem:$0x10400] =	vst v63  }
0x3e: {  	s10 =	simm.s32 $0x5400  }
0x3f: {  	[tilespmem:s10], [sflag:$0x1] =	stream.indirect_vreg.gather [hbm4b:s1+s3], $0x80, v3, vm0, $0xb8;
	[tilespmem:$0x10400] =	vst v63  }
0x40: {  	s11 =	simm.s32 $0x5C00  }
0x41: {  	[tilespmem:s11], [sflag:$0x1] =	stream.indirect_vreg.gather [hbm4b:s4+s3], $0x80, v3, vm0, $0xb8;
	[tilespmem:$0x10400] =	vst v63  }
0x42: {  	v3 =	vld [tilespmem:$0x30];
	_ =	sdelay $0x4  }
0x43: {  	v35 =	vshll.u32 v3, $0x2  }
0x44: {  	v3 =	vand.u32 $0x7, v3;
	v4 =	vand.u32 $0xFFFFFFE0, v35  }
0x45: {  	v3 =	vor.u32 v3, v4  }
0x46: {  	v4 =	vperm.xlane v3, v0;
	_ =	sdelay $0x1  }
0x47: {  	v4 =	vadd.s32 v1, v4;
	_ =	sdelay $0x1  }
0x48: {  	v3 =	vperm.xlane v3, v2;
	_ =	sdelay $0x1  }
0x49: {  	s16 =	simm.s32 $0x6400;
	v3 =	vadd.s32 v1, v3  }
0x4a: {  	[tilespmem:s16], [sflag:$0x1] =	stream.indirect_vreg.gather [hbm4b:s1+s3], $0x80, v4, vm0, $0xb8;
	[tilespmem:$0x10400] =	vst v63  }
0x4b: {  	s17 =	simm.s32 $0x6C00  }
0x4c: {  	[tilespmem:s17], [sflag:$0x1] =	stream.indirect_vreg.gather [hbm4b:s4+s3], $0x80, v4, vm0, $0xb8;
	[tilespmem:$0x10400] =	vst v63  }
0x4d: {  	s19 =	simm.s32 $0x7400  }
0x4e: {  	[tilespmem:s19], [sflag:$0x1] =	stream.indirect_vreg.gather [hbm4b:s1+s3], $0x80, v3, vm0, $0xb8;
	[tilespmem:$0x10400] =	vst v63  }
0x4f: {  	s20 =	simm.s32 $0x7C00  }
0x50: {  	[tilespmem:s20], [sflag:$0x1] =	stream.indirect_vreg.gather [hbm4b:s4+s3], $0x80, v3, vm0, $0xb8;
	[tilespmem:$0x10400] =	vst v63  }
0x51: {  	v3 =	vld [tilespmem:$0x80];
	_ =	sdelay $0x4  }
0x52: {  	v36 =	vshll.u32 v3, $0x2  }
0x53: {  	v3 =	vand.u32 $0x7, v3;
	v4 =	vand.u32 $0xFFFFFFE0, v36  }
0x54: {  	v3 =	vor.u32 v3, v4  }
0x55: {  	v4 =	vperm.xlane v3, v0;
	_ =	sdelay $0x1  }
0x56: {  	v4 =	vadd.s32 v1, v4;
	_ =	sdelay $0x1  }
0x57: {  	v3 =	vperm.xlane v3, v2;
	_ =	sdelay $0x1  }
0x58: {  	v3 =	vadd.s32 v1, v3  }
0x59: {  	[tilespmem:s23], [sflag:$0x2] =	stream.indirect_vreg.gather [hbm4b:s1+s3], $0x80, v4, vm0, $0xb8;
	[tilespmem:$0x10400] =	vst v63  }
0x5a: {  	s21 =	simm.s32 $0x8C00  }
0x5b: {  	[tilespmem:s21], [sflag:$0x2] =	stream.indirect_vreg.gather [hbm4b:s4+s3], $0x80, v4, vm0, $0xb8;
	[tilespmem:$0x10400] =	vst v63  }
0x5c: {  	s22 =	simm.s32 $0x9400  }
0x5d: {  	[tilespmem:s22], [sflag:$0x2] =	stream.indirect_vreg.gather [hbm4b:s1+s3], $0x80, v3, vm0, $0xb8;
	[tilespmem:$0x10400] =	vst v63  }
0x5e: {  	s24 =	simm.s32 $0x9C00  }
0x5f: {  	[tilespmem:s24], [sflag:$0x2] =	stream.indirect_vreg.gather [hbm4b:s4+s3], $0x80, v3, vm0, $0xb8;
	[tilespmem:$0x10400] =	vst v63  }
0x60: {  	v3 =	vld [tilespmem:$0x90];
	_ =	sdelay $0x4  }
0x61: {  	v37 =	vshll.u32 v3, $0x2  }
0x62: {  	v3 =	vand.u32 $0x7, v3;
	v4 =	vand.u32 $0xFFFFFFE0, v37  }
0x63: {  	v3 =	vor.u32 v3, v4  }
0x64: {  	v4 =	vperm.xlane v3, v0;
	_ =	sdelay $0x1  }
0x65: {  	v4 =	vadd.s32 v1, v4;
	_ =	sdelay $0x1  }
0x66: {  	v3 =	vperm.xlane v3, v2;
	_ =	sdelay $0x1  }
0x67: {  	s25 =	simm.s32 $0xA400;
	v3 =	vadd.s32 v1, v3  }
0x68: {  	[tilespmem:s25], [sflag:$0x2] =	stream.indirect_vreg.gather [hbm4b:s1+s3], $0x80, v4, vm0, $0xb8;
	[tilespmem:$0x10400] =	vst v63  }
0x69: {  	s26 =	simm.s32 $0xAC00  }
0x6a: {  	[tilespmem:s26], [sflag:$0x2] =	stream.indirect_vreg.gather [hbm4b:s4+s3], $0x80, v4, vm0, $0xb8;
	[tilespmem:$0x10400] =	vst v63  }
0x6b: {  	s28 =	simm.s32 $0xB400  }
0x6c: {  	[tilespmem:s28], [sflag:$0x2] =	stream.indirect_vreg.gather [hbm4b:s1+s3], $0x80, v3, vm0, $0xb8;
	[tilespmem:$0x10400] =	vst v63  }
0x6d: {  	s30 =	simm.s32 $0xBC00  }
0x6e: {  	[tilespmem:s30], [sflag:$0x2] =	stream.indirect_vreg.gather [hbm4b:s4+s3], $0x80, v3, vm0, $0xb8;
	[tilespmem:$0x10400] =	vst v63  }
0x6f: {  	v3 =	vld [tilespmem:$0xA0];
	_ =	sdelay $0x4  }
0x70: {  	v38 =	vshll.u32 v3, $0x2  }
0x71: {  	v3 =	vand.u32 $0x7, v3;
	v4 =	vand.u32 $0xFFFFFFE0, v38  }
0x72: {  	v3 =	vor.u32 v3, v4  }
0x73: {  	v4 =	vperm.xlane v3, v0;
	_ =	sdelay $0x1  }
0x74: {  	v4 =	vadd.s32 v1, v4;
	_ =	sdelay $0x1  }
0x75: {  	v3 =	vperm.xlane v3, v2;
	_ =	sdelay $0x1  }
0x76: {  	s31 =	simm.s32 $0xC400;
	v3 =	vadd.s32 v1, v3  }
0x77: {  	[tilespmem:s31], [sflag:$0x2] =	stream.indirect_vreg.gather [hbm4b:s1+s3], $0x80, v4, vm0, $0xb8;
	[tilespmem:$0x10400] =	vst v63  }
0x78: {  	s0 =	simm.s32 $0xCC00  }
0x79: {  	[tilespmem:s0], [sflag:$0x2] =	stream.indirect_vreg.gather [hbm4b:s4+s3], $0x80, v4, vm0, $0xb8;
	[tilespmem:$0x10400] =	vst v63  }
0x7a: {  	s10 =	simm.s32 $0xD400  }
0x7b: {  	[tilespmem:s10], [sflag:$0x2] =	stream.indirect_vreg.gather [hbm4b:s1+s3], $0x80, v3, vm0, $0xb8;
	[tilespmem:$0x10400] =	vst v63  }
0x7c: {  	s11 =	simm.s32 $0xDC00  }
0x7d: {  	[tilespmem:s11], [sflag:$0x2] =	stream.indirect_vreg.gather [hbm4b:s4+s3], $0x80, v3, vm0, $0xb8;
	[tilespmem:$0x10400] =	vst v63  }
0x7e: {  	v3 =	vld [tilespmem:$0xB0];
	_ =	sdelay $0x4  }
0x7f: {  	v39 =	vshll.u32 v3, $0x2  }
0x80: {  	v3 =	vand.u32 $0x7, v3;
	v4 =	vand.u32 $0xFFFFFFE0, v39  }
0x81: {  	v3 =	vor.u32 v3, v4  }
0x82: {  	v4 =	vperm.xlane v3, v0;
	_ =	sdelay $0x1  }
0x83: {  	v4 =	vadd.s32 v1, v4;
	_ =	sdelay $0x1  }
0x84: {  	v3 =	vperm.xlane v3, v2;
	_ =	sdelay $0x1  }
0x85: {  	s17 =	simm.s32 $0xE400;
	v3 =	vadd.s32 v1, v3  }
0x86: {  	[tilespmem:s17], [sflag:$0x2] =	stream.indirect_vreg.gather [hbm4b:s1+s3], $0x80, v4, vm0, $0xb8;
	[tilespmem:$0x10400] =	vst v63  }
0x87: {  	s19 =	simm.s32 $0xEC00  }
0x88: {  	[tilespmem:s19], [sflag:$0x2] =	stream.indirect_vreg.gather [hbm4b:s4+s3], $0x80, v4, vm0, $0xb8;
	[tilespmem:$0x10400] =	vst v63  }
0x89: {  	s20 =	simm.s32 $0xF400  }
0x8a: {  	[tilespmem:s20], [sflag:$0x2] =	stream.indirect_vreg.gather [hbm4b:s1+s3], $0x80, v3, vm0, $0xb8;
	[tilespmem:$0x10400] =	vst v63  }
0x8b: {  	s21 =	simm.s32 $0xFC00  }
0x8c: {  	[tilespmem:s21], [sflag:$0x2] =	stream.indirect_vreg.gather [hbm4b:s4+s3], $0x80, v3, vm0, $0xb8;
	[tilespmem:$0x10400] =	vst v63  }
0x8d: {  	_ =	swait.ge [sflag:s14], $0x8000  }
0x8e: {  	[sflag:s14] =	ssyncset.done $0x0  }
0x8f: {  	s0 =	rddreg [dreg:$0x5];
	[sflag:s14] =	ssyncadd.s32 $0xFFFF8000  }
0x90: {  	[hbm4b:s0+s3] =	stream.linear.scatter [tilespmem:s29], [sflag:$0x3], $0x8000, $0x38;
	[tilespmem:$0x10400] =	vst v63  }
0x91: {  	_ =	swait.ge [sflag:s6], $0x8000  }
0x92: {  	[sflag:s6] =	ssyncset.done $0x0  }
0x93: {  	[sflag:s6] =	ssyncadd.s32 $0xFFFF8000  }
0x94: {  	v3 =	vld [tilespmem:$0x100];
	_ =	sdelay $0x4  }
0x95: {  	v40 =	vshll.u32 v3, $0x2  }
0x96: {  	v3 =	vand.u32 $0x7, v3;
	v4 =	vand.u32 $0xFFFFFFE0, v40  }
0x97: {  	v3 =	vor.u32 v3, v4  }
0x98: {  	v4 =	vperm.xlane v3, v0;
	_ =	sdelay $0x1  }
0x99: {  	v4 =	vadd.s32 v1, v4;
	_ =	sdelay $0x1  }
0x9a: {  	v3 =	vperm.xlane v3, v2;
	_ =	sdelay $0x1  }
0x9b: {  	v3 =	vadd.s32 v1, v3  }
0x9c: {  	[tilespmem:s29], [sflag:$0x1] =	stream.indirect_vreg.gather [hbm4b:s1+s3], $0x80, v4, vm0, $0xb8;
	[tilespmem:$0x10400] =	vst v63  }
0x9d: {  	s2 =	simm.s32 $0xC00  }
0x9e: {  	[tilespmem:s2], [sflag:$0x1] =	stream.indirect_vreg.gather [hbm4b:s4+s3], $0x80, v4, vm0, $0xb8;
	[tilespmem:$0x10400] =	vst v63  }
0x9f: {  	s8 =	simm.s32 $0x1400  }
0xa0: {  	[tilespmem:s8], [sflag:$0x1] =	stream.indirect_vreg.gather [hbm4b:s1+s3], $0x80, v3, vm0, $0xb8;
	[tilespmem:$0x10400] =	vst v63  }
0xa1: {  	s9 =	simm.s32 $0x1C00  }
0xa2: {  	[tilespmem:s9], [sflag:$0x1] =	stream.indirect_vreg.gather [hbm4b:s4+s3], $0x80, v3, vm0, $0xb8;
	[tilespmem:$0x10400] =	vst v63  }
0xa3: {  	v3 =	vld [tilespmem:$0x110];
	_ =	sdelay $0x4  }
0xa4: {  	v41 =	vshll.u32 v3, $0x2  }
0xa5: {  	v3 =	vand.u32 $0x7, v3;
	v4 =	vand.u32 $0xFFFFFFE0, v41  }
0xa6: {  	v3 =	vor.u32 v3, v4  }
0xa7: {  	v4 =	vperm.xlane v3, v0;
	_ =	sdelay $0x1  }
0xa8: {  	v4 =	vadd.s32 v1, v4;
	_ =	sdelay $0x1  }
0xa9: {  	v3 =	vperm.xlane v3, v2;
	_ =	sdelay $0x1  }
0xaa: {  	s9 =	simm.s32 $0x2400;
	v3 =	vadd.s32 v1, v3  }
0xab: {  	[tilespmem:s9], [sflag:$0x1] =	stream.indirect_vreg.gather [hbm4b:s1+s3], $0x80, v4, vm0, $0xb8;
	[tilespmem:$0x10400] =	vst v63  }
0xac: {  	s10 =	simm.s32 $0x2C00  }
0xad: {  	[tilespmem:s10], [sflag:$0x1] =	stream.indirect_vreg.gather [hbm4b:s4+s3], $0x80, v4, vm0, $0xb8;
	[tilespmem:$0x10400] =	vst v63  }
0xae: {  	s11 =	simm.s32 $0x3400  }
0xaf: {  	[tilespmem:s11], [sflag:$0x1] =	stream.indirect_vreg.gather [hbm4b:s1+s3], $0x80, v3, vm0, $0xb8;
	[tilespmem:$0x10400] =	vst v63  }
0xb0: {  	s13 =	simm.s32 $0x3C00  }
0xb1: {  	[tilespmem:s13], [sflag:$0x1] =	stream.indirect_vreg.gather [hbm4b:s4+s3], $0x80, v3, vm0, $0xb8;
	[tilespmem:$0x10400] =	vst v63  }
0xb2: {  	v3 =	vld [tilespmem:$0x120];
	_ =	sdelay $0x4  }
0xb3: {  	v42 =	vshll.u32 v3, $0x2  }
0xb4: {  	v3 =	vand.u32 $0x7, v3;
	v4 =	vand.u32 $0xFFFFFFE0, v42  }
0xb5: {  	v3 =	vor.u32 v3, v4  }
0xb6: {  	v4 =	vperm.xlane v3, v0;
	_ =	sdelay $0x1  }
0xb7: {  	v4 =	vadd.s32 v1, v4;
	_ =	sdelay $0x1  }
0xb8: {  	v3 =	vperm.xlane v3, v2;
	_ =	sdelay $0x1  }
0xb9: {  	s12 =	simm.s32 $0x4400;
	v3 =	vadd.s32 v1, v3  }
0xba: {  	[tilespmem:s12], [sflag:$0x1] =	stream.indirect_vreg.gather [hbm4b:s1+s3], $0x80, v4, vm0, $0xb8;
	[tilespmem:$0x10400] =	vst v63  }
0xbb: {  	s17 =	simm.s32 $0x4C00  }
0xbc: {  	[tilespmem:s17], [sflag:$0x1] =	stream.indirect_vreg.gather [hbm4b:s4+s3], $0x80, v4, vm0, $0xb8;
	[tilespmem:$0x10400] =	vst v63  }
0xbd: {  	s13 =	simm.s32 $0x5400  }
0xbe: {  	[tilespmem:s13], [sflag:$0x1] =	stream.indirect_vreg.gather [hbm4b:s1+s3], $0x80, v3, vm0, $0xb8;
	[tilespmem:$0x10400] =	vst v63  }
0xbf: {  	s18 =	simm.s32 $0x5C00  }
0xc0: {  	[tilespmem:s18], [sflag:$0x1] =	stream.indirect_vreg.gather [hbm4b:s4+s3], $0x80, v3, vm0, $0xb8;
	[tilespmem:$0x10400] =	vst v63  }
0xc1: {  	v3 =	vld [tilespmem:$0x130];
	_ =	sdelay $0x4  }
0xc2: {  	v43 =	vshll.u32 v3, $0x2  }
0xc3: {  	v3 =	vand.u32 $0x7, v3;
	v4 =	vand.u32 $0xFFFFFFE0, v43  }
0xc4: {  	v3 =	vor.u32 v3, v4  }
0xc5: {  	v4 =	vperm.xlane v3, v0;
	_ =	sdelay $0x1  }
0xc6: {  	v4 =	vadd.s32 v1, v4;
	_ =	sdelay $0x1  }
0xc7: {  	v3 =	vperm.xlane v3, v2;
	_ =	sdelay $0x1  }
0xc8: {  	s18 =	simm.s32 $0x6400;
	v3 =	vadd.s32 v1, v3  }
0xc9: {  	[tilespmem:s18], [sflag:$0x1] =	stream.indirect_vreg.gather [hbm4b:s1+s3], $0x80, v4, vm0, $0xb8;
	[tilespmem:$0x10400] =	vst v63  }
0xca: {  	s19 =	simm.s32 $0x6C00  }
0xcb: {  	[tilespmem:s19], [sflag:$0x1] =	stream.indirect_vreg.gather [hbm4b:s4+s3], $0x80, v4, vm0, $0xb8;
	[tilespmem:$0x10400] =	vst v63  }
0xcc: {  	s12 =	simm.s32 $0x7400  }
0xcd: {  	[tilespmem:s12], [sflag:$0x1] =	stream.indirect_vreg.gather [hbm4b:s1+s3], $0x80, v3, vm0, $0xb8;
	[tilespmem:$0x10400] =	vst v63  }
0xce: {  	s20 =	simm.s32 $0x7C00  }
0xcf: {  	[tilespmem:s20], [sflag:$0x1] =	stream.indirect_vreg.gather [hbm4b:s4+s3], $0x80, v3, vm0, $0xb8;
	[tilespmem:$0x10400] =	vst v63  }
0xd0: {  	_ =	swait.ge [sflag:s15], $0x8000  }
0xd1: {  	[sflag:s15] =	ssyncset.done $0x0  }
0xd2: {  	s8 =	rddreg [dreg:$0x6];
	[sflag:s15] =	ssyncadd.s32 $0xFFFF8000  }
0xd3: {  	[hbm4b:s8+s3] =	stream.linear.scatter [tilespmem:s23], [sflag:$0x3], $0x8000, $0x38;
	[tilespmem:$0x10400] =	vst v63  }
0xd4: {  	_ =	swait.ge [sflag:s6], $0x8000  }
0xd5: {  	[sflag:s6] =	ssyncset.done $0x0  }
0xd6: {  	[sflag:s6] =	ssyncadd.s32 $0xFFFF8000  }
0xd7: {  	v3 =	vld [tilespmem:$0x180];
	_ =	sdelay $0x4  }
0xd8: {  	v44 =	vshll.u32 v3, $0x2  }
0xd9: {  	v3 =	vand.u32 $0x7, v3;
	v4 =	vand.u32 $0xFFFFFFE0, v44  }
0xda: {  	v3 =	vor.u32 v3, v4  }
0xdb: {  	v4 =	vperm.xlane v3, v0;
	_ =	sdelay $0x1  }
0xdc: {  	v4 =	vadd.s32 v1, v4;
	_ =	sdelay $0x1  }
0xdd: {  	v3 =	vperm.xlane v3, v2;
	_ =	sdelay $0x1  }
0xde: {  	v3 =	vadd.s32 v1, v3  }
0xdf: {  	[tilespmem:s23], [sflag:$0x2] =	stream.indirect_vreg.gather [hbm4b:s1+s3], $0x80, v4, vm0, $0xb8;
	[tilespmem:$0x10400] =	vst v63  }
0xe0: {  	s0 =	simm.s32 $0x8C00  }
0xe1: {  	[tilespmem:s0], [sflag:$0x2] =	stream.indirect_vreg.gather [hbm4b:s4+s3], $0x80, v4, vm0, $0xb8;
	[tilespmem:$0x10400] =	vst v63  }
0xe2: {  	s2 =	simm.s32 $0x9400  }
0xe3: {  	[tilespmem:s2], [sflag:$0x2] =	stream.indirect_vreg.gather [hbm4b:s1+s3], $0x80, v3, vm0, $0xb8;
	[tilespmem:$0x10400] =	vst v63  }
0xe4: {  	s7 =	simm.s32 $0x9C00  }
0xe5: {  	[tilespmem:s7], [sflag:$0x2] =	stream.indirect_vreg.gather [hbm4b:s4+s3], $0x80, v3, vm0, $0xb8;
	[tilespmem:$0x10400] =	vst v63  }
0xe6: {  	v3 =	vld [tilespmem:$0x190];
	_ =	sdelay $0x4  }
0xe7: {  	v45 =	vshll.u32 v3, $0x2  }
0xe8: {  	v3 =	vand.u32 $0x7, v3;
	v4 =	vand.u32 $0xFFFFFFE0, v45  }
0xe9: {  	v3 =	vor.u32 v3, v4  }
0xea: {  	v4 =	vperm.xlane v3, v0;
	_ =	sdelay $0x1  }
0xeb: {  	v4 =	vadd.s32 v1, v4;
	_ =	sdelay $0x1  }
0xec: {  	v3 =	vperm.xlane v3, v2;
	_ =	sdelay $0x1  }
0xed: {  	s7 =	simm.s32 $0xA400;
	v3 =	vadd.s32 v1, v3  }
0xee: {  	[tilespmem:s7], [sflag:$0x2] =	stream.indirect_vreg.gather [hbm4b:s1+s3], $0x80, v4, vm0, $0xb8;
	[tilespmem:$0x10400] =	vst v63  }
0xef: {  	s8 =	simm.s32 $0xAC00  }
0xf0: {  	[tilespmem:s8], [sflag:$0x2] =	stream.indirect_vreg.gather [hbm4b:s4+s3], $0x80, v4, vm0, $0xb8;
	[tilespmem:$0x10400] =	vst v63  }
0xf1: {  	s28 =	simm.s32 $0xB400  }
0xf2: {  	[tilespmem:s28], [sflag:$0x2] =	stream.indirect_vreg.gather [hbm4b:s1+s3], $0x80, v3, vm0, $0xb8;
	[tilespmem:$0x10400] =	vst v63  }
0xf3: {  	s22 =	simm.s32 $0xBC00  }
0xf4: {  	[tilespmem:s22], [sflag:$0x2] =	stream.indirect_vreg.gather [hbm4b:s4+s3], $0x80, v3, vm0, $0xb8;
	[tilespmem:$0x10400] =	vst v63  }
0xf5: {  	v3 =	vld [tilespmem:$0x1A0];
	_ =	sdelay $0x4  }
0xf6: {  	v46 =	vshll.u32 v3, $0x2  }
0xf7: {  	v3 =	vand.u32 $0x7, v3;
	v4 =	vand.u32 $0xFFFFFFE0, v46  }
0xf8: {  	v3 =	vor.u32 v3, v4  }
0xf9: {  	v4 =	vperm.xlane v3, v0;
	_ =	sdelay $0x1  }
0xfa: {  	v4 =	vadd.s32 v1, v4;
	_ =	sdelay $0x1  }
0xfb: {  	v3 =	vperm.xlane v3, v2;
	_ =	sdelay $0x1  }
0xfc: {  	s22 =	simm.s32 $0xC400;
	v3 =	vadd.s32 v1, v3  }
0xfd: {  	[tilespmem:s22], [sflag:$0x2] =	stream.indirect_vreg.gather [hbm4b:s1+s3], $0x80, v4, vm0, $0xb8;
	[tilespmem:$0x10400] =	vst v63  }
0xfe: {  	s25 =	simm.s32 $0xCC00  }
0xff: {  	[tilespmem:s25], [sflag:$0x2] =	stream.indirect_vreg.gather [hbm4b:s4+s3], $0x80, v4, vm0, $0xb8;
	[tilespmem:$0x10400] =	vst v63  }
0x100: {  	s26 =	simm.s32 $0xD400  }
0x101: {  	[tilespmem:s26], [sflag:$0x2] =	stream.indirect_vreg.gather [hbm4b:s1+s3], $0x80, v3, vm0, $0xb8;
	[tilespmem:$0x10400] =	vst v63  }
0x102: {  	s24 =	simm.s32 $0xDC00  }
0x103: {  	[tilespmem:s24], [sflag:$0x2] =	stream.indirect_vreg.gather [hbm4b:s4+s3], $0x80, v3, vm0, $0xb8;
	[tilespmem:$0x10400] =	vst v63  }
0x104: {  	v3 =	vld [tilespmem:$0x1B0];
	_ =	sdelay $0x4  }
0x105: {  	v47 =	vshll.u32 v3, $0x2  }
0x106: {  	v3 =	vand.u32 $0x7, v3;
	v4 =	vand.u32 $0xFFFFFFE0, v47  }
0x107: {  	v3 =	vor.u32 v3, v4  }
0x108: {  	v4 =	vperm.xlane v3, v0;
	_ =	sdelay $0x1  }
0x109: {  	v4 =	vadd.s32 v1, v4;
	_ =	sdelay $0x1  }
0x10a: {  	v3 =	vperm.xlane v3, v2;
	_ =	sdelay $0x1  }
0x10b: {  	s30 =	simm.s32 $0xE400;
	v3 =	vadd.s32 v1, v3  }
0x10c: {  	[tilespmem:s30], [sflag:$0x2] =	stream.indirect_vreg.gather [hbm4b:s1+s3], $0x80, v4, vm0, $0xb8;
	[tilespmem:$0x10400] =	vst v63  }
0x10d: {  	s31 =	simm.s32 $0xEC00  }
0x10e: {  	[tilespmem:s31], [sflag:$0x2] =	stream.indirect_vreg.gather [hbm4b:s4+s3], $0x80, v4, vm0, $0xb8;
	[tilespmem:$0x10400] =	vst v63  }
0x10f: {  	s30 =	simm.s32 $0xF400  }
0x110: {  	[tilespmem:s30], [sflag:$0x2] =	stream.indirect_vreg.gather [hbm4b:s1+s3], $0x80, v3, vm0, $0xb8;
	[tilespmem:$0x10400] =	vst v63  }
0x111: {  	s21 =	simm.s32 $0xFC00  }
0x112: {  	[tilespmem:s21], [sflag:$0x2] =	stream.indirect_vreg.gather [hbm4b:s4+s3], $0x80, v3, vm0, $0xb8;
	[tilespmem:$0x10400] =	vst v63  }
0x113: {  	_ =	swait.ge [sflag:s14], $0x8000  }
0x114: {  	[sflag:s14] =	ssyncset.done $0x0  }
0x115: {  	s21 =	rddreg [dreg:$0x7];
	[sflag:s14] =	ssyncadd.s32 $0xFFFF8000  }
0x116: {  	[hbm4b:s21+s3] =	stream.linear.scatter [tilespmem:s29], [sflag:$0x3], $0x8000, $0x38;
	[tilespmem:$0x10400] =	vst v63  }
0x117: {  	_ =	swait.ge [sflag:s6], $0x8000  }
0x118: {  	[sflag:s6] =	ssyncset.done $0x0  }
0x119: {  	[sflag:s6] =	ssyncadd.s32 $0xFFFF8000  }
0x11a: {  	v3 =	vld [tilespmem:$0x200];
	_ =	sdelay $0x4  }
0x11b: {  	v48 =	vshll.u32 v3, $0x2  }
0x11c: {  	v3 =	vand.u32 $0x7, v3;
	v4 =	vand.u32 $0xFFFFFFE0, v48  }
0x11d: {  	v3 =	vor.u32 v3, v4  }
0x11e: {  	v4 =	vperm.xlane v3, v0;
	_ =	sdelay $0x1  }
0x11f: {  	v4 =	vadd.s32 v1, v4;
	_ =	sdelay $0x1  }
0x120: {  	v3 =	vperm.xlane v3, v2;
	_ =	sdelay $0x1  }
0x121: {  	v3 =	vadd.s32 v1, v3  }
0x122: {  	[tilespmem:s29], [sflag:$0x1] =	stream.indirect_vreg.gather [hbm4b:s1+s3], $0x80, v4, vm0, $0xb8;
	[tilespmem:$0x10400] =	vst v63  }
0x123: {  	s21 =	simm.s32 $0xC00  }
0x124: {  	[tilespmem:s21], [sflag:$0x1] =	stream.indirect_vreg.gather [hbm4b:s4+s3], $0x80, v4, vm0, $0xb8;
	[tilespmem:$0x10400] =	vst v63  }
0x125: {  	s21 =	simm.s32 $0x1400  }
0x126: {  	[tilespmem:s21], [sflag:$0x1] =	stream.indirect_vreg.gather [hbm4b:s1+s3], $0x80, v3, vm0, $0xb8;
	[tilespmem:$0x10400] =	vst v63  }
0x127: {  	s21 =	simm.s32 $0x1C00  }
0x128: {  	[tilespmem:s21], [sflag:$0x1] =	stream.indirect_vreg.gather [hbm4b:s4+s3], $0x80, v3, vm0, $0xb8;
	[tilespmem:$0x10400] =	vst v63  }
0x129: {  	v3 =	vld [tilespmem:$0x210];
	_ =	sdelay $0x4  }
0x12a: {  	v49 =	vshll.u32 v3, $0x2  }
0x12b: {  	v3 =	vand.u32 $0x7, v3;
	v4 =	vand.u32 $0xFFFFFFE0, v49  }
0x12c: {  	v3 =	vor.u32 v3, v4  }
0x12d: {  	v4 =	vperm.xlane v3, v0;
	_ =	sdelay $0x1  }
0x12e: {  	v4 =	vadd.s32 v1, v4;
	_ =	sdelay $0x1  }
0x12f: {  	v3 =	vperm.xlane v3, v2;
	_ =	sdelay $0x1  }
0x130: {  	v3 =	vadd.s32 v1, v3  }
0x131: {  	[tilespmem:s9], [sflag:$0x1] =	stream.indirect_vreg.gather [hbm4b:s1+s3], $0x80, v4, vm0, $0xb8;
	[tilespmem:$0x10400] =	vst v63  }
0x132: {  	_ = 	snop  }
0x133: {  	[tilespmem:s10], [sflag:$0x1] =	stream.indirect_vreg.gather [hbm4b:s4+s3], $0x80, v4, vm0, $0xb8;
	[tilespmem:$0x10400] =	vst v63  }
0x134: {  	_ = 	snop  }
0x135: {  	[tilespmem:s11], [sflag:$0x1] =	stream.indirect_vreg.gather [hbm4b:s1+s3], $0x80, v3, vm0, $0xb8;
	[tilespmem:$0x10400] =	vst v63  }
0x136: {  	s21 =	simm.s32 $0x3C00  }
0x137: {  	[tilespmem:s21], [sflag:$0x1] =	stream.indirect_vreg.gather [hbm4b:s4+s3], $0x80, v3, vm0, $0xb8;
	[tilespmem:$0x10400] =	vst v63  }
0x138: {  	v3 =	vld [tilespmem:$0x220];
	_ =	sdelay $0x4  }
0x139: {  	v50 =	vshll.u32 v3, $0x2  }
0x13a: {  	v3 =	vand.u32 $0x7, v3;
	v4 =	vand.u32 $0xFFFFFFE0, v50  }
0x13b: {  	v3 =	vor.u32 v3, v4  }
0x13c: {  	v4 =	vperm.xlane v3, v0;
	_ =	sdelay $0x1  }
0x13d: {  	v4 =	vadd.s32 v1, v4;
	_ =	sdelay $0x1  }
0x13e: {  	v3 =	vperm.xlane v3, v2;
	_ =	sdelay $0x1  }
0x13f: {  	s21 =	simm.s32 $0x4400;
	v3 =	vadd.s32 v1, v3  }
0x140: {  	[tilespmem:s21], [sflag:$0x1] =	stream.indirect_vreg.gather [hbm4b:s1+s3], $0x80, v4, vm0, $0xb8;
	[tilespmem:$0x10400] =	vst v63  }
0x141: {  	_ = 	snop  }
0x142: {  	[tilespmem:s17], [sflag:$0x1] =	stream.indirect_vreg.gather [hbm4b:s4+s3], $0x80, v4, vm0, $0xb8;
	[tilespmem:$0x10400] =	vst v63  }
0x143: {  	_ = 	snop  }
0x144: {  	[tilespmem:s13], [sflag:$0x1] =	stream.indirect_vreg.gather [hbm4b:s1+s3], $0x80, v3, vm0, $0xb8;
	[tilespmem:$0x10400] =	vst v63  }
0x145: {  	s21 =	simm.s32 $0x5C00  }
0x146: {  	[tilespmem:s21], [sflag:$0x1] =	stream.indirect_vreg.gather [hbm4b:s4+s3], $0x80, v3, vm0, $0xb8;
	[tilespmem:$0x10400] =	vst v63  }
0x147: {  	v3 =	vld [tilespmem:$0x230];
	_ =	sdelay $0x4  }
0x148: {  	v51 =	vshll.u32 v3, $0x2  }
0x149: {  	v3 =	vand.u32 $0x7, v3;
	v4 =	vand.u32 $0xFFFFFFE0, v51  }
0x14a: {  	v3 =	vor.u32 v3, v4  }
0x14b: {  	v4 =	vperm.xlane v3, v0;
	_ =	sdelay $0x1  }
0x14c: {  	v4 =	vadd.s32 v1, v4;
	_ =	sdelay $0x1  }
0x14d: {  	v3 =	vperm.xlane v3, v2;
	_ =	sdelay $0x1  }
0x14e: {  	v3 =	vadd.s32 v1, v3  }
0x14f: {  	[tilespmem:s18], [sflag:$0x1] =	stream.indirect_vreg.gather [hbm4b:s1+s3], $0x80, v4, vm0, $0xb8;
	[tilespmem:$0x10400] =	vst v63  }
0x150: {  	_ = 	snop  }
0x151: {  	[tilespmem:s19], [sflag:$0x1] =	stream.indirect_vreg.gather [hbm4b:s4+s3], $0x80, v4, vm0, $0xb8;
	[tilespmem:$0x10400] =	vst v63  }
0x152: {  	_ = 	snop  }
0x153: {  	[tilespmem:s12], [sflag:$0x1] =	stream.indirect_vreg.gather [hbm4b:s1+s3], $0x80, v3, vm0, $0xb8;
	[tilespmem:$0x10400] =	vst v63  }
0x154: {  	_ = 	snop  }
0x155: {  	[tilespmem:s20], [sflag:$0x1] =	stream.indirect_vreg.gather [hbm4b:s4+s3], $0x80, v3, vm0, $0xb8;
	[tilespmem:$0x10400] =	vst v63  }
0x156: {  	_ =	swait.ge [sflag:s15], $0x8000  }
0x157: {  	[sflag:s15] =	ssyncset.done $0x0  }
0x158: {  	s21 =	rddreg [dreg:$0x8];
	[sflag:s15] =	ssyncadd.s32 $0xFFFF8000  }
0x159: {  	[hbm4b:s21+s3] =	stream.linear.scatter [tilespmem:s23], [sflag:$0x3], $0x8000, $0x38;
	[tilespmem:$0x10400] =	vst v63  }
0x15a: {  	_ =	swait.ge [sflag:s6], $0x8000  }
0x15b: {  	[sflag:s6] =	ssyncset.done $0x0  }
0x15c: {  	[sflag:s6] =	ssyncadd.s32 $0xFFFF8000  }
0x15d: {  	v3 =	vld [tilespmem:$0x280];
	_ =	sdelay $0x4  }
0x15e: {  	v52 =	vshll.u32 v3, $0x2  }
0x15f: {  	v3 =	vand.u32 $0x7, v3;
	v4 =	vand.u32 $0xFFFFFFE0, v52  }
0x160: {  	v3 =	vor.u32 v3, v4  }
0x161: {  	v4 =	vperm.xlane v3, v0;
	_ =	sdelay $0x1  }
0x162: {  	v4 =	vadd.s32 v1, v4;
	_ =	sdelay $0x1  }
0x163: {  	v3 =	vperm.xlane v3, v2;
	_ =	sdelay $0x1  }
0x164: {  	v3 =	vadd.s32 v1, v3  }
0x165: {  	[tilespmem:s23], [sflag:$0x2] =	stream.indirect_vreg.gather [hbm4b:s1+s3], $0x80, v4, vm0, $0xb8;
	[tilespmem:$0x10400] =	vst v63  }
0x166: {  	_ = 	snop  }
0x167: {  	[tilespmem:s0], [sflag:$0x2] =	stream.indirect_vreg.gather [hbm4b:s4+s3], $0x80, v4, vm0, $0xb8;
	[tilespmem:$0x10400] =	vst v63  }
0x168: {  	_ = 	snop  }
0x169: {  	[tilespmem:s2], [sflag:$0x2] =	stream.indirect_vreg.gather [hbm4b:s1+s3], $0x80, v3, vm0, $0xb8;
	[tilespmem:$0x10400] =	vst v63  }
0x16a: {  	s21 =	simm.s32 $0x9C00  }
0x16b: {  	[tilespmem:s21], [sflag:$0x2] =	stream.indirect_vreg.gather [hbm4b:s4+s3], $0x80, v3, vm0, $0xb8;
	[tilespmem:$0x10400] =	vst v63  }
0x16c: {  	v3 =	vld [tilespmem:$0x290];
	_ =	sdelay $0x4  }
0x16d: {  	v53 =	vshll.u32 v3, $0x2  }
0x16e: {  	v3 =	vand.u32 $0x7, v3;
	v4 =	vand.u32 $0xFFFFFFE0, v53  }
0x16f: {  	v3 =	vor.u32 v3, v4  }
0x170: {  	v4 =	vperm.xlane v3, v0;
	_ =	sdelay $0x1  }
0x171: {  	v4 =	vadd.s32 v1, v4;
	_ =	sdelay $0x1  }
0x172: {  	v3 =	vperm.xlane v3, v2;
	_ =	sdelay $0x1  }
0x173: {  	v3 =	vadd.s32 v1, v3  }
0x174: {  	[tilespmem:s7], [sflag:$0x2] =	stream.indirect_vreg.gather [hbm4b:s1+s3], $0x80, v4, vm0, $0xb8;
	[tilespmem:$0x10400] =	vst v63  }
0x175: {  	_ = 	snop  }
0x176: {  	[tilespmem:s8], [sflag:$0x2] =	stream.indirect_vreg.gather [hbm4b:s4+s3], $0x80, v4, vm0, $0xb8;
	[tilespmem:$0x10400] =	vst v63  }
0x177: {  	s28 =	simm.s32 $0xB400  }
0x178: {  	[tilespmem:s28], [sflag:$0x2] =	stream.indirect_vreg.gather [hbm4b:s1+s3], $0x80, v3, vm0, $0xb8;
	[tilespmem:$0x10400] =	vst v63  }
0x179: {  	s21 =	simm.s32 $0xBC00  }
0x17a: {  	[tilespmem:s21], [sflag:$0x2] =	stream.indirect_vreg.gather [hbm4b:s4+s3], $0x80, v3, vm0, $0xb8;
	[tilespmem:$0x10400] =	vst v63  }
0x17b: {  	v3 =	vld [tilespmem:$0x2A0];
	_ =	sdelay $0x4  }
0x17c: {  	v54 =	vshll.u32 v3, $0x2  }
0x17d: {  	v3 =	vand.u32 $0x7, v3;
	v4 =	vand.u32 $0xFFFFFFE0, v54  }
0x17e: {  	v3 =	vor.u32 v3, v4  }
0x17f: {  	v4 =	vperm.xlane v3, v0;
	_ =	sdelay $0x1  }
0x180: {  	v4 =	vadd.s32 v1, v4;
	_ =	sdelay $0x1  }
0x181: {  	v3 =	vperm.xlane v3, v2;
	_ =	sdelay $0x1  }
0x182: {  	s22 =	simm.s32 $0xC400;
	v3 =	vadd.s32 v1, v3  }
0x183: {  	[tilespmem:s22], [sflag:$0x2] =	stream.indirect_vreg.gather [hbm4b:s1+s3], $0x80, v4, vm0, $0xb8;
	[tilespmem:$0x10400] =	vst v63  }
0x184: {  	s25 =	simm.s32 $0xCC00  }
0x185: {  	[tilespmem:s25], [sflag:$0x2] =	stream.indirect_vreg.gather [hbm4b:s4+s3], $0x80, v4, vm0, $0xb8;
	[tilespmem:$0x10400] =	vst v63  }
0x186: {  	s26 =	simm.s32 $0xD400  }
0x187: {  	[tilespmem:s26], [sflag:$0x2] =	stream.indirect_vreg.gather [hbm4b:s1+s3], $0x80, v3, vm0, $0xb8;
	[tilespmem:$0x10400] =	vst v63  }
0x188: {  	s26 =	simm.s32 $0xDC00  }
0x189: {  	[tilespmem:s26], [sflag:$0x2] =	stream.indirect_vreg.gather [hbm4b:s4+s3], $0x80, v3, vm0, $0xb8;
	[tilespmem:$0x10400] =	vst v63  }
0x18a: {  	v3 =	vld [tilespmem:$0x2B0];
	_ =	sdelay $0x4  }
0x18b: {  	v55 =	vshll.u32 v3, $0x2  }
0x18c: {  	v3 =	vand.u32 $0x7, v3;
	v4 =	vand.u32 $0xFFFFFFE0, v55  }
0x18d: {  	v3 =	vor.u32 v3, v4  }
0x18e: {  	v4 =	vperm.xlane v3, v0;
	_ =	sdelay $0x1  }
0x18f: {  	v4 =	vadd.s32 v1, v4;
	_ =	sdelay $0x1  }
0x190: {  	v3 =	vperm.xlane v3, v2;
	_ =	sdelay $0x1  }
0x191: {  	s24 =	simm.s32 $0xE400;
	v3 =	vadd.s32 v1, v3  }
0x192: {  	[tilespmem:s24], [sflag:$0x2] =	stream.indirect_vreg.gather [hbm4b:s1+s3], $0x80, v4, vm0, $0xb8;
	[tilespmem:$0x10400] =	vst v63  }
0x193: {  	s31 =	simm.s32 $0xEC00  }
0x194: {  	[tilespmem:s31], [sflag:$0x2] =	stream.indirect_vreg.gather [hbm4b:s4+s3], $0x80, v4, vm0, $0xb8;
	[tilespmem:$0x10400] =	vst v63  }
0x195: {  	s30 =	simm.s32 $0xF400  }
0x196: {  	[tilespmem:s30], [sflag:$0x2] =	stream.indirect_vreg.gather [hbm4b:s1+s3], $0x80, v3, vm0, $0xb8;
	[tilespmem:$0x10400] =	vst v63  }
0x197: {  	s30 =	simm.s32 $0xFC00  }
0x198: {  	[tilespmem:s30], [sflag:$0x2] =	stream.indirect_vreg.gather [hbm4b:s4+s3], $0x80, v3, vm0, $0xb8;
	[tilespmem:$0x10400] =	vst v63  }
0x199: {  	_ =	swait.ge [sflag:s14], $0x8000  }
0x19a: {  	[sflag:s14] =	ssyncset.done $0x0  }
0x19b: {  	s16 =	rddreg [dreg:$0x9];
	[sflag:s14] =	ssyncadd.s32 $0xFFFF8000  }
0x19c: {  	[hbm4b:s16+s3] =	stream.linear.scatter [tilespmem:s29], [sflag:$0x3], $0x8000, $0x38;
	[tilespmem:$0x10400] =	vst v63  }
0x19d: {  	_ =	swait.ge [sflag:s6], $0x8000  }
0x19e: {  	[sflag:s6] =	ssyncset.done $0x0  }
0x19f: {  	[sflag:s6] =	ssyncadd.s32 $0xFFFF8000  }
0x1a0: {  	v3 =	vld [tilespmem:$0x300];
	_ =	sdelay $0x4  }
0x1a1: {  	v56 =	vshll.u32 v3, $0x2  }
0x1a2: {  	v3 =	vand.u32 $0x7, v3;
	v4 =	vand.u32 $0xFFFFFFE0, v56  }
0x1a3: {  	v3 =	vor.u32 v3, v4  }
0x1a4: {  	v4 =	vperm.xlane v3, v0;
	_ =	sdelay $0x1  }
0x1a5: {  	v4 =	vadd.s32 v1, v4;
	_ =	sdelay $0x1  }
0x1a6: {  	v3 =	vperm.xlane v3, v2;
	_ =	sdelay $0x1  }
0x1a7: {  	v3 =	vadd.s32 v1, v3  }
0x1a8: {  	[tilespmem:s29], [sflag:$0x1] =	stream.indirect_vreg.gather [hbm4b:s1+s3], $0x80, v4, vm0, $0xb8;
	[tilespmem:$0x10400] =	vst v63  }
0x1a9: {  	s16 =	simm.s32 $0xC00  }
0x1aa: {  	[tilespmem:s16], [sflag:$0x1] =	stream.indirect_vreg.gather [hbm4b:s4+s3], $0x80, v4, vm0, $0xb8;
	[tilespmem:$0x10400] =	vst v63  }
0x1ab: {  	s16 =	simm.s32 $0x1400  }
0x1ac: {  	[tilespmem:s16], [sflag:$0x1] =	stream.indirect_vreg.gather [hbm4b:s1+s3], $0x80, v3, vm0, $0xb8;
	[tilespmem:$0x10400] =	vst v63  }
0x1ad: {  	s16 =	simm.s32 $0x1C00  }
0x1ae: {  	[tilespmem:s16], [sflag:$0x1] =	stream.indirect_vreg.gather [hbm4b:s4+s3], $0x80, v3, vm0, $0xb8;
	[tilespmem:$0x10400] =	vst v63  }
0x1af: {  	v3 =	vld [tilespmem:$0x310];
	_ =	sdelay $0x4  }
0x1b0: {  	v57 =	vshll.u32 v3, $0x2  }
0x1b1: {  	v3 =	vand.u32 $0x7, v3;
	v4 =	vand.u32 $0xFFFFFFE0, v57  }
0x1b2: {  	v3 =	vor.u32 v3, v4  }
0x1b3: {  	v4 =	vperm.xlane v3, v0;
	_ =	sdelay $0x1  }
0x1b4: {  	v4 =	vadd.s32 v1, v4;
	_ =	sdelay $0x1  }
0x1b5: {  	v3 =	vperm.xlane v3, v2;
	_ =	sdelay $0x1  }
0x1b6: {  	s9 =	simm.s32 $0x2400;
	v3 =	vadd.s32 v1, v3  }
0x1b7: {  	[tilespmem:s9], [sflag:$0x1] =	stream.indirect_vreg.gather [hbm4b:s1+s3], $0x80, v4, vm0, $0xb8;
	[tilespmem:$0x10400] =	vst v63  }
0x1b8: {  	s10 =	simm.s32 $0x2C00  }
0x1b9: {  	[tilespmem:s10], [sflag:$0x1] =	stream.indirect_vreg.gather [hbm4b:s4+s3], $0x80, v4, vm0, $0xb8;
	[tilespmem:$0x10400] =	vst v63  }
0x1ba: {  	s11 =	simm.s32 $0x3400  }
0x1bb: {  	[tilespmem:s11], [sflag:$0x1] =	stream.indirect_vreg.gather [hbm4b:s1+s3], $0x80, v3, vm0, $0xb8;
	[tilespmem:$0x10400] =	vst v63  }
0x1bc: {  	s11 =	simm.s32 $0x3C00  }
0x1bd: {  	[tilespmem:s11], [sflag:$0x1] =	stream.indirect_vreg.gather [hbm4b:s4+s3], $0x80, v3, vm0, $0xb8;
	[tilespmem:$0x10400] =	vst v63  }
0x1be: {  	v3 =	vld [tilespmem:$0x320];
	_ =	sdelay $0x4  }
0x1bf: {  	v58 =	vshll.u32 v3, $0x2  }
0x1c0: {  	v3 =	vand.u32 $0x7, v3;
	v4 =	vand.u32 $0xFFFFFFE0, v58  }
0x1c1: {  	v3 =	vor.u32 v3, v4  }
0x1c2: {  	v4 =	vperm.xlane v3, v0;
	_ =	sdelay $0x1  }
0x1c3: {  	v4 =	vadd.s32 v1, v4;
	_ =	sdelay $0x1  }
0x1c4: {  	v3 =	vperm.xlane v3, v2;
	_ =	sdelay $0x1  }
0x1c5: {  	s16 =	simm.s32 $0x4400;
	v3 =	vadd.s32 v1, v3  }
0x1c6: {  	[tilespmem:s16], [sflag:$0x1] =	stream.indirect_vreg.gather [hbm4b:s1+s3], $0x80, v4, vm0, $0xb8;
	[tilespmem:$0x10400] =	vst v63  }
0x1c7: {  	s17 =	simm.s32 $0x4C00  }
0x1c8: {  	[tilespmem:s17], [sflag:$0x1] =	stream.indirect_vreg.gather [hbm4b:s4+s3], $0x80, v4, vm0, $0xb8;
	[tilespmem:$0x10400] =	vst v63  }
0x1c9: {  	s13 =	simm.s32 $0x5400  }
0x1ca: {  	[tilespmem:s13], [sflag:$0x1] =	stream.indirect_vreg.gather [hbm4b:s1+s3], $0x80, v3, vm0, $0xb8;
	[tilespmem:$0x10400] =	vst v63  }
0x1cb: {  	s17 =	simm.s32 $0x5C00  }
0x1cc: {  	[tilespmem:s17], [sflag:$0x1] =	stream.indirect_vreg.gather [hbm4b:s4+s3], $0x80, v3, vm0, $0xb8;
	[tilespmem:$0x10400] =	vst v63  }
0x1cd: {  	v3 =	vld [tilespmem:$0x330];
	_ =	sdelay $0x4  }
0x1ce: {  	v59 =	vshll.u32 v3, $0x2  }
0x1cf: {  	v3 =	vand.u32 $0x7, v3;
	v4 =	vand.u32 $0xFFFFFFE0, v59  }
0x1d0: {  	v3 =	vor.u32 v3, v4  }
0x1d1: {  	v4 =	vperm.xlane v3, v0;
	_ =	sdelay $0x1  }
0x1d2: {  	v4 =	vadd.s32 v1, v4;
	_ =	sdelay $0x1  }
0x1d3: {  	v3 =	vperm.xlane v3, v2;
	_ =	sdelay $0x1  }
0x1d4: {  	s18 =	simm.s32 $0x6400;
	v3 =	vadd.s32 v1, v3  }
0x1d5: {  	[tilespmem:s18], [sflag:$0x1] =	stream.indirect_vreg.gather [hbm4b:s1+s3], $0x80, v4, vm0, $0xb8;
	[tilespmem:$0x10400] =	vst v63  }
0x1d6: {  	s19 =	simm.s32 $0x6C00  }
0x1d7: {  	[tilespmem:s19], [sflag:$0x1] =	stream.indirect_vreg.gather [hbm4b:s4+s3], $0x80, v4, vm0, $0xb8;
	[tilespmem:$0x10400] =	vst v63  }
0x1d8: {  	s12 =	simm.s32 $0x7400  }
0x1d9: {  	[tilespmem:s12], [sflag:$0x1] =	stream.indirect_vreg.gather [hbm4b:s1+s3], $0x80, v3, vm0, $0xb8;
	[tilespmem:$0x10400] =	vst v63  }
0x1da: {  	s20 =	simm.s32 $0x7C00  }
0x1db: {  	[tilespmem:s20], [sflag:$0x1] =	stream.indirect_vreg.gather [hbm4b:s4+s3], $0x80, v3, vm0, $0xb8;
	[tilespmem:$0x10400] =	vst v63  }
0x1dc: {  	_ =	swait.ge [sflag:s15], $0x8000  }
0x1dd: {  	[sflag:s15] =	ssyncset.done $0x0  }
0x1de: {  	s18 =	rddreg [dreg:$0xa];
	[sflag:s15] =	ssyncadd.s32 $0xFFFF8000  }
0x1df: {  	[hbm4b:s18+s3] =	stream.linear.scatter [tilespmem:s23], [sflag:$0x3], $0x8000, $0x38;
	[tilespmem:$0x10400] =	vst v63  }
0x1e0: {  	_ =	swait.ge [sflag:s6], $0x8000  }
0x1e1: {  	[sflag:s6] =	ssyncset.done $0x0  }
0x1e2: {  	[sflag:s6] =	ssyncadd.s32 $0xFFFF8000  }
0x1e3: {  	v3 =	vld [tilespmem:$0x380];
	_ =	sdelay $0x4  }
0x1e4: {  	v60 =	vshll.u32 v3, $0x2  }
0x1e5: {  	v3 =	vand.u32 $0x7, v3;
	v4 =	vand.u32 $0xFFFFFFE0, v60  }
0x1e6: {  	v3 =	vor.u32 v3, v4  }
0x1e7: {  	v4 =	vperm.xlane v3, v0;
	_ =	sdelay $0x1  }
0x1e8: {  	v4 =	vadd.s32 v1, v4;
	_ =	sdelay $0x1  }
0x1e9: {  	v3 =	vperm.xlane v3, v2;
	_ =	sdelay $0x1  }
0x1ea: {  	v3 =	vadd.s32 v1, v3  }
0x1eb: {  	[tilespmem:s23], [sflag:$0x2] =	stream.indirect_vreg.gather [hbm4b:s1+s3], $0x80, v4, vm0, $0xb8;
	[tilespmem:$0x10400] =	vst v63  }
0x1ec: {  	s0 =	simm.s32 $0x8C00  }
0x1ed: {  	[tilespmem:s0], [sflag:$0x2] =	stream.indirect_vreg.gather [hbm4b:s4+s3], $0x80, v4, vm0, $0xb8;
	[tilespmem:$0x10400] =	vst v63  }
0x1ee: {  	s2 =	simm.s32 $0x9400  }
0x1ef: {  	[tilespmem:s2], [sflag:$0x2] =	stream.indirect_vreg.gather [hbm4b:s1+s3], $0x80, v3, vm0, $0xb8;
	[tilespmem:$0x10400] =	vst v63  }
0x1f0: {  	s19 =	simm.s32 $0x9C00  }
0x1f1: {  	[tilespmem:s19], [sflag:$0x2] =	stream.indirect_vreg.gather [hbm4b:s4+s3], $0x80, v3, vm0, $0xb8;
	[tilespmem:$0x10400] =	vst v63  }
0x1f2: {  	v3 =	vld [tilespmem:$0x390];
	_ =	sdelay $0x4  }
0x1f3: {  	v61 =	vshll.u32 v3, $0x2  }
0x1f4: {  	v3 =	vand.u32 $0x7, v3;
	v4 =	vand.u32 $0xFFFFFFE0, v61  }
0x1f5: {  	v3 =	vor.u32 v3, v4  }
0x1f6: {  	v4 =	vperm.xlane v3, v0;
	_ =	sdelay $0x1  }
0x1f7: {  	v4 =	vadd.s32 v1, v4;
	_ =	sdelay $0x1  }
0x1f8: {  	v3 =	vperm.xlane v3, v2;
	_ =	sdelay $0x1  }
0x1f9: {  	s7 =	simm.s32 $0xA400;
	v3 =	vadd.s32 v1, v3  }
0x1fa: {  	[tilespmem:s7], [sflag:$0x2] =	stream.indirect_vreg.gather [hbm4b:s1+s3], $0x80, v4, vm0, $0xb8;
	[tilespmem:$0x10400] =	vst v63  }
0x1fb: {  	s8 =	simm.s32 $0xAC00  }
0x1fc: {  	[tilespmem:s8], [sflag:$0x2] =	stream.indirect_vreg.gather [hbm4b:s4+s3], $0x80, v4, vm0, $0xb8;
	[tilespmem:$0x10400] =	vst v63  }
0x1fd: {  	s28 =	simm.s32 $0xB400  }
0x1fe: {  	[tilespmem:s28], [sflag:$0x2] =	stream.indirect_vreg.gather [hbm4b:s1+s3], $0x80, v3, vm0, $0xb8;
	[tilespmem:$0x10400] =	vst v63  }
0x1ff: {  	s20 =	simm.s32 $0xBC00  }
0x200: {  	[tilespmem:s20], [sflag:$0x2] =	stream.indirect_vreg.gather [hbm4b:s4+s3], $0x80, v3, vm0, $0xb8;
	[tilespmem:$0x10400] =	vst v63  }
0x201: {  	v3 =	vld [tilespmem:$0x3A0];
	_ =	sdelay $0x4  }
0x202: {  	v62 =	vshll.u32 v3, $0x2  }
0x203: {  	v3 =	vand.u32 $0x7, v3;
	v4 =	vand.u32 $0xFFFFFFE0, v62  }
0x204: {  	v3 =	vor.u32 v3, v4  }
0x205: {  	v4 =	vperm.xlane v3, v0;
	_ =	sdelay $0x1  }
0x206: {  	v4 =	vadd.s32 v1, v4;
	_ =	sdelay $0x1  }
0x207: {  	v3 =	vperm.xlane v3, v2;
	_ =	sdelay $0x1  }
0x208: {  	s21 =	simm.s32 $0xC400;
	v3 =	vadd.s32 v1, v3  }
0x209: {  	[tilespmem:s21], [sflag:$0x2] =	stream.indirect_vreg.gather [hbm4b:s1+s3], $0x80, v4, vm0, $0xb8;
	[tilespmem:$0x10400] =	vst v63  }
0x20a: {  	s22 =	simm.s32 $0xCC00  }
0x20b: {  	[tilespmem:s22], [sflag:$0x2] =	stream.indirect_vreg.gather [hbm4b:s4+s3], $0x80, v4, vm0, $0xb8;
	[tilespmem:$0x10400] =	vst v63  }
0x20c: {  	s25 =	simm.s32 $0xD400  }
0x20d: {  	[tilespmem:s25], [sflag:$0x2] =	stream.indirect_vreg.gather [hbm4b:s1+s3], $0x80, v3, vm0, $0xb8;
	[tilespmem:$0x10400] =	vst v63  }
0x20e: {  	s28 =	simm.s32 $0xDC00  }
0x20f: {  	[tilespmem:s28], [sflag:$0x2] =	stream.indirect_vreg.gather [hbm4b:s4+s3], $0x80, v3, vm0, $0xb8;
	[tilespmem:$0x10400] =	vst v63  }
0x210: {  	v3 =	vld [tilespmem:$0x3B0];
	_ =	sdelay $0x4  }
0x211: {  	v63 =	vshll.u32 v3, $0x2  }
0x212: {  	v3 =	vand.u32 $0x7, v3;
	v4 =	vand.u32 $0xFFFFFFE0, v63  }
0x213: {  	v3 =	vor.u32 v3, v4  }
0x214: {  	v4 =	vperm.xlane v3, v0;
	_ =	sdelay $0x1  }
0x215: {  	v4 =	vadd.s32 v1, v4;
	_ =	sdelay $0x1  }
0x216: {  	v3 =	vperm.xlane v3, v2;
	_ =	sdelay $0x1  }
0x217: {  	s26 =	simm.s32 $0xE400;
	v3 =	vadd.s32 v1, v3  }
0x218: {  	[tilespmem:s26], [sflag:$0x2] =	stream.indirect_vreg.gather [hbm4b:s1+s3], $0x80, v4, vm0, $0xb8;
	[tilespmem:$0x10400] =	vst v63  }
0x219: {  	s31 =	simm.s32 $0xEC00  }
0x21a: {  	[tilespmem:s31], [sflag:$0x2] =	stream.indirect_vreg.gather [hbm4b:s4+s3], $0x80, v4, vm0, $0xb8;
	[tilespmem:$0x10400] =	vst v63  }
0x21b: {  	s24 =	simm.s32 $0xF400  }
0x21c: {  	[tilespmem:s24], [sflag:$0x2] =	stream.indirect_vreg.gather [hbm4b:s1+s3], $0x80, v3, vm0, $0xb8;
	[tilespmem:$0x10400] =	vst v63  }
0x21d: {  	s30 =	simm.s32 $0xFC00  }
0x21e: {  	[tilespmem:s30], [sflag:$0x2] =	stream.indirect_vreg.gather [hbm4b:s4+s3], $0x80, v3, vm0, $0xb8;
	[tilespmem:$0x10400] =	vst v63  }
0x21f: {  	_ =	swait.ge [sflag:s14], $0x8000  }
0x220: {  	[sflag:s14] =	ssyncset.done $0x0  }
0x221: {  	s30 =	rddreg [dreg:$0xb];
	[sflag:s14] =	ssyncadd.s32 $0xFFFF8000  }
0x222: {  	[hbm4b:s30+s3] =	stream.linear.scatter [tilespmem:s29], [sflag:$0x3], $0x8000, $0x38;
	[tilespmem:$0x10400] =	vst v63  }
0x223: {  	_ =	swait.ge [sflag:s6], $0x8000  }
0x224: {  	[sflag:s6] =	ssyncset.done $0x0  }
0x225: {  	[sflag:s6] =	ssyncadd.s32 $0xFFFF8000  }
0x226: {  	_ =	swait.ge [sflag:s15], $0x8000  }
0x227: {  	p0 =	sne.s32 s5, $0x1;
	[sflag:s15] =	ssyncset.done $0x0  }
.Ltmp0:
0x228: {  	s31 =	rddreg [dreg:$0xc];
	[sflag:s15] =	ssyncadd.s32 $0xFFFF8000;
	(pc) =	sbr.rel @p0 .LBB2_1-.Ltmp0, $4  }
0x229: {  	[hbm4b:s31+s3] =	stream.linear.scatter [tilespmem:s23], [sflag:$0x3], $0x8000, $0x38;
	[tilespmem:$0x10400] =	vst v63  }
0x22a: {  	_ =	swait.ge [sflag:s6], $0x8000  }
0x22b: {  	[sflag:s6] =	ssyncset.done $0x0  }
0x22c: {  	s5 =	sadd.s32 $0xFFFFFFFF, s5;
	[sflag:s6] =	ssyncadd.s32 $0xFFFF8000  }
0x22d: {  	_ =	sfence.sel $0x180000  }
0x22e: {  	[bflag:$0x0] =	sbarrier.arrive $0xFFFF  }
0x22f: {  	_ =	strace $0x90000047  }
0x230: {  	s0 =	stileid.u32;
	[bflag:$0x2] =	sbarrier.arrive $0xFFFF  }
0x231: {  	p0 =	sne.s32 s0, $0x0;
	s0 =	rddreg [dreg:$0x3]  }
0x232: {  	s0 =	sadd.s32 @!p0 $0x100000, s0  }
0x233: {  	[sflag:s0] =	ssyncadd.tile.s32 @!p0 $0x1;
	_ =	shalt  }
.Lfunc_end2:
_tile_overlayer_lowered:
.L_overlay_start_2:
0x234: {  	(tag) =	ssettag $0x2  }
0x235: {  	s0 =	rddreg [dreg:$0x0];
	s2 =	stileid.u32  }
0x236: {  	s1 =	rddreg [dreg:$0x1];
	p0 =	sne.s32 s2, $0x0  }
0x237: {  	s3 =	rddreg [dreg:$0x2];
	[bflag:$0x3] =	sbarrier.arrive $0xFFFF;
	s2 =	simm.s32 @!p0 $0x1C03  }
0x238: {  	[timem:s3], [sflag:s2] =	dma.local @!p0 [hbm:s0], s1  }
0x239: {  	s0 =	simm.s32 @!p0 $0x3  }
0x23a: {  	_ =	swait.ge @!p0 [sflag:s0], s1  }
0x23b: {  	s1 =	ssub.s32 @!p0 $0x0, s1;
	[sflag:s0] =	ssyncset.done @!p0 $0x0  }
0x23c: {  	[sflag:s0] =	ssyncadd.s32 @!p0 s1  }
0x23d: {  	[bflag:$0x3] =	sbarrier.arrive $0xFFFF  }
0x23e: {  	_ =	shalt  }

</sc_bundles>
